<compile_context>
chip_gen: v7x
topology: tpu7x:2x2x1
jax: 0.10.2.dev20260603
libtpu: 0.0.44.dev20260713+nightly
codegen_flags: <defaults>
</compile_context>

<pallas_src>
import jax
import jax.numpy as jnp
import numpy as np
from jax import lax
from jax.experimental import pallas as pl
from jax.experimental.pallas import tpu as pltpu
from jax.experimental.pallas import tpu_sc as plsc

_M, _N, _K = 8, 8, 8
_NUM_ELEMENTS = _M * _K + _K * _N + 2 * _M * _N
_NUM_OPS = _M * _N * (_K + 1)
_L = 16
_NCHUNK = _NUM_OPS // _L
_NSUB = 16
_AFS_PAD = _NUM_OPS + _L


def _op_tables():
    first_src, second_src, dst = [], [], []
    for i in range(_M):
        for j in range(_N):
            c_idx = _M * _K + _K * _N + i * _N + j
            d_idx = _M * _K + _K * _N + _M * _N + i * _N + j
            first_src.append(c_idx)
            second_src.append(-1)
            dst.append(d_idx)
            for k in range(_K):
                first_src.append(i * _K + k)
                second_src.append(_M * _K + k * _N + j)
                dst.append(d_idx)
    return np.concatenate([
        np.asarray(first_src, dtype=np.int32),
        np.asarray(second_src, dtype=np.int32),
        np.asarray(dst, dtype=np.int32),
    ])


def _to_key(p):
    b = lax.bitcast_convert_type(p + 0.0, jnp.int32)
    m = lax.shift_right_arithmetic(b, 31)
    return b ^ (m & jnp.int32(0x7FFFFFFF))


def _sc_body(mem_hbm, op_hbm, tbl_hbm, out_hbm,
             op_v, skeys_iv, mem_v, tbl_v,
             st_afA, st_adA, st_afB, st_adB, st_afC, st_adC,
             part_stage, afs_v, ads_v, part_v, out_stage,
             sem_op, sem_mem, sem_tbl, sem_sc, sem_f1, sem_f2, sem_f3,
             afs_sh, ads_sh, part_sh):
    wid = lax.axis_index("s")
    has3 = (wid >= 4) & (wid < 8)

    pltpu.async_copy(op_hbm, op_v, sem_op)
    pltpu.async_copy(mem_hbm, mem_v, sem_mem)
    pltpu.async_copy(tbl_hbm, tbl_v, sem_tbl)
    pltpu.make_async_copy(op_hbm, op_v, sem_op).wait()

    def prep_body(t, carry):
        sl = pl.ds(t * _L, _L)
        skeys_iv[sl] = _to_key(lax.sort(op_v[sl]))
        return carry

    lax.fori_loop(0, _NCHUNK, prep_body, 0)

    cA = wid
    cB = wid + _NSUB
    cC = jnp.where(has3, wid + 2 * _NSUB - 4, wid)
    kAi = _to_key(op_v[pl.ds(cA * _L, _L)])
    kBi = _to_key(op_v[pl.ds(cB * _L, _L)])
    kCi = _to_key(op_v[pl.ds(cC * _L, _L)])
    zero = jnp.zeros((_L,), jnp.int32)

    def srch3(jc, carry):
        jbase = jc * _L
        out = []
        for acc, myki, c in zip(carry, (kAi, kBi, kCi), (cA, cB, cC)):
            thr = myki + jnp.where(jc < c, 1, 0)
            pos = zero + jbase
            for sz in (8, 4, 2, 1, 1):
                g = plsc.load_gather(skeys_iv, [pos + (sz - 1)])
                pos = pos + jnp.where(g < thr, sz, 0)
            out.append(acc + jnp.where(jc == c, 0, pos - jbase))
        return tuple(out)

    accA, accB, accC = lax.fori_loop(0, _NCHUNK, srch3, (zero, zero, zero))

    li = lax.iota(jnp.int32, _L)

    def diag(acc, myki):
        for m in range(_L):
            thr = myki + jnp.where(m < li, 1, 0)
            acc = acc + jnp.where(myki[m] < thr, 1, 0)
        return acc

    accA = diag(accA, kAi)
    accB = diag(accB, kBi)
    accC = diag(accC, kCi)

    pltpu.make_async_copy(mem_hbm, mem_v, sem_mem).wait()
    pltpu.make_async_copy(tbl_hbm, tbl_v, sem_tbl).wait()

    def chunk_vals(c, r, intra):
        fs = tbl_v[pl.ds(c * _L, _L)]
        ss = tbl_v[pl.ds(_NUM_OPS + c * _L, _L)]
        ds = tbl_v[pl.ds(2 * _NUM_OPS + c * _L, _L)]
        has2 = ss >= 0
        ss_c = jnp.where(has2, ss, 0)
        af = plsc.load_gather(mem_v, [fs])
        asv = plsc.load_gather(mem_v, [ss_c])
        ad = plsc.load_gather(mem_v, [ds])
        idx1 = jnp.where(r >= 1, r - 1, _NUM_OPS + li)
        hop1 = jnp.where(has2, asv - af, ad - af)
        hop2 = ad - asv
        fwd1 = jnp.maximum(hop1, 0.0)
        bwd1 = jnp.maximum(-hop1, 0.0)
        fwd2 = jnp.where(has2, jnp.maximum(hop2, 0.0), 0.0)
        bwd2 = jnp.where(has2, jnp.maximum(-hop2, 0.0), 0.0)
        intra = intra + fwd1 + bwd1 * bwd1 + fwd2 + bwd2 * bwd2
        return af, ad, idx1, intra

    afA, adA, idxA, intra = chunk_vals(cA, accA, jnp.zeros((_L,), jnp.float32))
    st_afA[...] = afA
    st_adA[...] = adA
    dA1 = pltpu.async_copy(st_afA, afs_sh.at[idxA], sem_sc)
    dA2 = pltpu.async_copy(st_adA, ads_sh.at[accA], sem_sc)

    afB, adB, idxB, intra = chunk_vals(cB, accB, intra)
    st_afB[...] = afB
    st_adB[...] = adB
    dB1 = pltpu.async_copy(st_afB, afs_sh.at[idxB], sem_sc)
    dB2 = pltpu.async_copy(st_adB, ads_sh.at[accB], sem_sc)

    part_stage[...] = intra

    @pl.when(has3)
    def _():
        afC, adC, idxC, intraC = chunk_vals(cC, accC, intra)
        st_afC[...] = afC
        st_adC[...] = adC
        pltpu.sync_copy(st_afC, afs_sh.at[idxC])
        pltpu.sync_copy(st_adC, ads_sh.at[accC])
        part_stage[...] = intraC

    pltpu.sync_copy(part_stage, part_sh.at[pl.ds(wid * _L, _L)])
    dA1.wait()
    dA2.wait()
    dB1.wait()
    dB2.wait()

    plsc.subcore_barrier()

    @pl.when(wid == 0)
    def _():
        pltpu.async_copy(afs_sh, afs_v, sem_f1)
        pltpu.async_copy(ads_sh, ads_v, sem_f2)
        pltpu.async_copy(part_sh, part_v, sem_f3)
        pltpu.make_async_copy(afs_sh, afs_v, sem_f1).wait()
        pltpu.make_async_copy(ads_sh, ads_v, sem_f2).wait()
        pltpu.make_async_copy(part_sh, part_v, sem_f3).wait()

        def inter_body(c, acc):
            a0, a1 = acc
            for cc in (c, c + _NCHUNK // 2):
                sl = pl.ds(cc * _L, _L)
                v = afs_v[sl] - ads_v[sl]
                fwd = jnp.maximum(v, 0.0)
                bwd = jnp.maximum(-v, 0.0)
                contrib = fwd + bwd * bwd
                gl = li + cc * _L
                a0, a1 = a1, a0 + jnp.where(gl < _NUM_OPS - 1, contrib, 0.0)
            return (a0, a1)

        zf = jnp.zeros((_L,), jnp.float32)
        i0, i1 = lax.fori_loop(0, _NCHUNK // 2, inter_body, (zf, zf))
        inter = i0 + i1

        def part_body(t, acc):
            a0, a1 = acc
            return (a0 + part_v[pl.ds(t * _L, _L)],
                    a1 + part_v[pl.ds((t + _NSUB // 2) * _L, _L)])

        p0, p1 = lax.fori_loop(0, _NSUB // 2, part_body, (zf, zf))
        intra_tot = p0 + p1

        inter_s = jnp.sum(inter)
        intra_s = jnp.sum(intra_tot)
        out_stage[...] = jnp.where(li == 0, inter_s,
                                   jnp.where(li == 1, intra_s, 0.0))
        pltpu.sync_copy(out_stage, out_hbm)


@jax.jit
def kernel(mem_params, op_params):
    tbl = _op_tables()
    mesh = plsc.VectorSubcoreMesh(core_axis_name="c", subcore_axis_name="s",
                                  num_cores=1)
    run = pl.kernel(
        _sc_body,
        out_type=jax.ShapeDtypeStruct((_L,), jnp.float32),
        mesh=mesh,
        compiler_params=pltpu.CompilerParams(needs_layout_passes=False),
        scratch_types=[
            pltpu.VMEM((_NUM_OPS,), jnp.float32),
            pltpu.VMEM((_NUM_OPS,), jnp.int32),
            pltpu.VMEM((_NUM_ELEMENTS,), jnp.float32),
            pltpu.VMEM((3 * _NUM_OPS,), jnp.int32),
            pltpu.VMEM((_L,), jnp.float32),
            pltpu.VMEM((_L,), jnp.float32),
            pltpu.VMEM((_L,), jnp.float32),
            pltpu.VMEM((_L,), jnp.float32),
            pltpu.VMEM((_L,), jnp.float32),
            pltpu.VMEM((_L,), jnp.float32),
            pltpu.VMEM((_L,), jnp.float32),
            pltpu.VMEM((_AFS_PAD,), jnp.float32),
            pltpu.VMEM((_NUM_OPS,), jnp.float32),
            pltpu.VMEM((_NSUB * _L,), jnp.float32),
            pltpu.VMEM((_L,), jnp.float32),
            pltpu.SemaphoreType.DMA,
            pltpu.SemaphoreType.DMA,
            pltpu.SemaphoreType.DMA,
            pltpu.SemaphoreType.DMA,
            pltpu.SemaphoreType.DMA,
            pltpu.SemaphoreType.DMA,
            pltpu.SemaphoreType.DMA,
            pltpu.VMEM_SHARED((_AFS_PAD,), jnp.float32),
            pltpu.VMEM_SHARED((_NUM_OPS,), jnp.float32),
            pltpu.VMEM_SHARED((_NSUB * _L,), jnp.float32),
        ],
    )
    out = run(mem_params, op_params, jnp.asarray(tbl))
    return (out[0], out[1])

# --- scband reference (transcript-rebuilt; emitter-appended) ---
"""Pipeline reference for scband-torch-parametric-solver-81767587381594 (READ-ONLY COPY).

The authoritative reference and input builder live on the scoring server;
editing this copy changes nothing except your own understanding.
"""

import jax, jax.numpy as jnp
import numpy as np

M, N, K = 8, 8, 8
NUM_ELEMENTS = M * K + K * N + 2 * M * N
NUM_OPS = M * N * (K + 1)


def _build_op_tables():
    # Mirrors build_flat_operations + label_to_idx flattening order:
    # all_labels = concat(A.flatten(), B.flatten(), C.flatten(), D.flatten())
    first_src, second_src, dst = [], [], []
    for i in range(M):
        for j in range(N):
            c_idx = M * K + K * N + i * N + j
            d_idx = M * K + K * N + M * N + i * N + j
            # ('+=C', D[i,j], [C[i,j]])
            first_src.append(c_idx)
            second_src.append(-1)
            dst.append(d_idx)
            for k in range(K):
                # ('+=A*B', D[i,j], [A[i,k], B[k,j]])
                first_src.append(i * K + k)
                second_src.append(M * K + k * N + j)
                dst.append(d_idx)
    return (np.asarray(first_src, dtype=np.int32),
            np.asarray(second_src, dtype=np.int32),
            np.asarray(dst, dtype=np.int32))


def setup_inputs(seed: int = 0):
    key = jax.random.key(seed)
    k1, k2 = jax.random.split(key)
    mem_params = jax.random.normal(k1, (NUM_ELEMENTS,), dtype=jnp.float32)
    op_params = jax.random.normal(k2, (NUM_OPS,), dtype=jnp.float32)
    return {"mem_params": mem_params, "op_params": op_params}


def _penalties(mem_params, op_params):
    fsrc, ssrc, dsts = _build_op_tables()
    # op order is argsort of op_params (detached in the torch original;
    # argsort output is integer so it carries no gradient here either)
    order = jnp.argsort(op_params)
    fs = jnp.asarray(fsrc)[order]
    ss = jnp.asarray(ssrc)[order]
    ds = jnp.asarray(dsts)[order]
    addr_fs = mem_params[fs]
    addr_ds = mem_params[ds]
    has2 = ss >= 0
    addr_ss = mem_params[jnp.where(has2, ss, 0)]
    # inter-op hops: first source addr of op t minus dst addr of op t-1
    inter = addr_fs[1:] - addr_ds[:-1]
    inter_pen = jnp.sum(jnp.maximum(inter, 0.0) ** 1.0) + jnp.sum(jnp.maximum(-inter, 0.0) ** 2.0)
    # intra-op hops along seq = sources + [dst]
    # 2-source ops: fs->ss, ss->ds ; 1-source ops: fs->ds
    hop1 = jnp.where(has2, addr_ss - addr_fs, addr_ds - addr_fs)
    hop2 = addr_ds - addr_ss
    fwd1 = jnp.maximum(hop1, 0.0)
    bwd1 = jnp.maximum(-hop1, 0.0)
    fwd2 = jnp.where(has2, jnp.maximum(hop2, 0.0), 0.0)
    bwd2 = jnp.where(has2, jnp.maximum(-hop2, 0.0), 0.0)
    intra_pen = (jnp.sum(fwd1 ** 1.0) + jnp.sum(bwd1 ** 2.0)
                 + jnp.sum(fwd2 ** 1.0) + jnp.sum(bwd2 ** 2.0))
    return inter_pen, intra_pen


def reference(mem_params, op_params):
    inter_pen, intra_pen = _penalties(mem_params, op_params)
    return (inter_pen, intra_pen)

if __name__ == "__main__":
    import jax
    _d = setup_inputs()
    print(jax.jit(kernel)(*tuple(_d.values())))

</pallas_src>

<mosaic_0001>
#map = affine_map<(d0, d1) -> (0)>
module attributes {stable_mosaic.version = 14 : i64} {
  func.func @_sc_body(%arg0: i32, %arg1: i32, %arg2: memref<256xf32, #tpu.memory_space<hbm>>, %arg3: memref<576xf32, #tpu.memory_space<hbm>>, %arg4: memref<1728xi32, #tpu.memory_space<hbm>>, %arg5: memref<16xf32, #tpu.memory_space<hbm>>, %arg6: memref<576xf32, #tpu.memory_space<vmem>>, %arg7: memref<576xi32, #tpu.memory_space<vmem>>, %arg8: memref<256xf32, #tpu.memory_space<vmem>>, %arg9: memref<1728xi32, #tpu.memory_space<vmem>>, %arg10: memref<16xf32, #tpu.memory_space<vmem>>, %arg11: memref<16xf32, #tpu.memory_space<vmem>>, %arg12: memref<16xf32, #tpu.memory_space<vmem>>, %arg13: memref<16xf32, #tpu.memory_space<vmem>>, %arg14: memref<16xf32, #tpu.memory_space<vmem>>, %arg15: memref<16xf32, #tpu.memory_space<vmem>>, %arg16: memref<16xf32, #tpu.memory_space<vmem>>, %arg17: memref<592xf32, #tpu.memory_space<vmem>>, %arg18: memref<576xf32, #tpu.memory_space<vmem>>, %arg19: memref<256xf32, #tpu.memory_space<vmem>>, %arg20: memref<16xf32, #tpu.memory_space<vmem>>, %arg21: memref<!tpu.dma_semaphore, #tpu.memory_space<semaphore_mem>>, %arg22: memref<!tpu.dma_semaphore, #tpu.memory_space<semaphore_mem>>, %arg23: memref<!tpu.dma_semaphore, #tpu.memory_space<semaphore_mem>>, %arg24: memref<!tpu.dma_semaphore, #tpu.memory_space<semaphore_mem>>, %arg25: memref<!tpu.dma_semaphore, #tpu.memory_space<semaphore_mem>>, %arg26: memref<!tpu.dma_semaphore, #tpu.memory_space<semaphore_mem>>, %arg27: memref<!tpu.dma_semaphore, #tpu.memory_space<semaphore_mem>>, %arg28: memref<592xf32, #tpu.memory_space<vmem_shared>>, %arg29: memref<576xf32, #tpu.memory_space<vmem_shared>>, %arg30: memref<256xf32, #tpu.memory_space<vmem_shared>>) attributes {dimension_semantics = [#tpu.dimension_semantics<core_parallel>, #tpu.dimension_semantics<subcore_parallel>], iteration_bounds = array<i64: 1, 16>, scalar_prefetch = 0 : i64, scratch_operands = 25 : i64, tpu.core_type = #tpu.core_type<sc_vector_subcore>, window_params = [{transform_indices = #map}, {transform_indices = #map}, {transform_indices = #map}, {transform_indices = #map}]} {
    %ge3A = arith.constant 4 : i32
    %ge3A_0 = arith.cmpi sge, %arg1, %ge3A : i32
    %lt3A = arith.constant 8 : i32
    %lt3A_1 = arith.cmpi slt, %arg1, %lt3A : i32
    %and3A = arith.andi %ge3A_0, %lt3A_1 : i1
    tpu.enqueue_dma source(%arg3 : memref<576xf32, #tpu.memory_space<hbm>>) target(%arg6 : memref<576xf32, #tpu.memory_space<vmem>>) target_semaphore(%arg21 : memref<!tpu.dma_semaphore, #tpu.memory_space<semaphore_mem>>)
    tpu.enqueue_dma source(%arg2 : memref<256xf32, #tpu.memory_space<hbm>>) target(%arg8 : memref<256xf32, #tpu.memory_space<vmem>>) target_semaphore(%arg22 : memref<!tpu.dma_semaphore, #tpu.memory_space<semaphore_mem>>)
    tpu.enqueue_dma source(%arg4 : memref<1728xi32, #tpu.memory_space<hbm>>) target(%arg9 : memref<1728xi32, #tpu.memory_space<vmem>>) target_semaphore(%arg23 : memref<!tpu.dma_semaphore, #tpu.memory_space<semaphore_mem>>)
    tpu.wait_dma2 semaphore(%arg21 : memref<!tpu.dma_semaphore, #tpu.memory_space<semaphore_mem>>) src(%arg3 : memref<576xf32, #tpu.memory_space<hbm>>) dst(%arg6 : memref<576xf32, #tpu.memory_space<vmem>>)
    %scan3A = arith.constant 0 : i32
    %scan3A_2 = arith.constant 0 : i32
    %scan3A_3 = arith.constant 36 : i32
    %scan3A_4 = arith.addi %scan3A_2, %scan3A_3 : i32
    %scan3A_5 = arith.constant 1 : i32
    scf.for %scan3A_1133 = %scan3A_2 to %scan3A_4 step %scan3A_5  : i32 {
      %mul3A_1134 = arith.constant 16 : i32
      %mul3A_1135 = arith.muli %scan3A_1133, %mul3A_1134 : i32
      %get3A_1136 = arith.index_cast %mul3A_1135 : i32 to index
      %get3A_1137 = tpu.vector_load %arg6[%get3A_1136] {strides = array<i32>} : memref<576xf32, #tpu.memory_space<vmem>>, vector<16xf32>,
      %sort3A = arith.constant dense<true> : vector<16xi1>
      %sort3A_1138, %sort3A_1139, %sort3A_1140 = tpu.sort %get3A_1137, %get3A_1137 masked %sort3A : (vector<16xf32>, vector<16xf32>, vector<16xi1>) -> (vector<16xi1>, vector<16xf32>, vector<16xf32>)
      %add3A_1141 = arith.constant 0.000000e+00 : f32
      %add3A_1142 = vector.broadcast %add3A_1141 : f32 to vector<16xf32>
      %add3A_1143 = arith.addf %sort3A_1139, %add3A_1142 : vector<16xf32>
      %bitcast_convert_type3A_1144 = tpu.bitcast %add3A_1143 : vector<16xf32> -> vector<16xi32>
      %shift_right_arithmetic3A_1145 = arith.constant 31 : i32
      %shift_right_arithmetic3A_1146 = vector.broadcast %shift_right_arithmetic3A_1145 : i32 to vector<16xi32>
      %shift_right_arithmetic3A_1147 = arith.shrsi %bitcast_convert_type3A_1144, %shift_right_arithmetic3A_1146 : vector<16xi32>
      %and3A_1148 = arith.constant 2147483647 : i32
      %and3A_1149 = vector.broadcast %and3A_1148 : i32 to vector<16xi32>
      %and3A_1150 = arith.andi %shift_right_arithmetic3A_1147, %and3A_1149 : vector<16xi32>
      %xor3A_1151 = arith.xori %bitcast_convert_type3A_1144, %and3A_1150 : vector<16xi32>
      %swap3A_1152 = arith.index_cast %mul3A_1135 : i32 to index
      %swap3A_1153 = tpu.vector_load %arg7[%swap3A_1152] {strides = array<i32>} : memref<576xi32, #tpu.memory_space<vmem>>, vector<16xi32>,
      tpu.vector_store %arg7[%swap3A_1152], %xor3A_1151 {strides = array<i32>} : memref<576xi32, #tpu.memory_space<vmem>>, vector<16xi32>,
    }
    %scan3A_6 = arith.constant 36 : i32
    %add3A = arith.constant 16 : i32
    %add3A_7 = arith.addi %arg1, %add3A : i32
    %add3A_8 = arith.constant 32 : i32
    %add3A_9 = arith.addi %arg1, %add3A_8 : i32
    %sub3A = arith.constant 4 : i32
    %sub3A_10 = arith.subi %add3A_9, %sub3A : i32
    %select_n3A = arith.select %and3A, %sub3A_10, %arg1 : i32
    %mul3A = arith.constant 16 : i32
    %mul3A_11 = arith.muli %arg1, %mul3A : i32
    %get3A = arith.index_cast %mul3A_11 : i32 to index
    %get3A_12 = tpu.vector_load %arg6[%get3A] {strides = array<i32>} : memref<576xf32, #tpu.memory_space<vmem>>, vector<16xf32>,
    %add3A_13 = arith.constant 0.000000e+00 : f32
    %add3A_14 = vector.broadcast %add3A_13 : f32 to vector<16xf32>
    %add3A_15 = arith.addf %get3A_12, %add3A_14 : vector<16xf32>
    %bitcast_convert_type3A = tpu.bitcast %add3A_15 : vector<16xf32> -> vector<16xi32>
    %shift_right_arithmetic3A = arith.constant 31 : i32
    %shift_right_arithmetic3A_16 = vector.broadcast %shift_right_arithmetic3A : i32 to vector<16xi32>
    %shift_right_arithmetic3A_17 = arith.shrsi %bitcast_convert_type3A, %shift_right_arithmetic3A_16 : vector<16xi32>
    %and3A_18 = arith.constant 2147483647 : i32
    %and3A_19 = vector.broadcast %and3A_18 : i32 to vector<16xi32>
    %and3A_20 = arith.andi %shift_right_arithmetic3A_17, %and3A_19 : vector<16xi32>
    %xor3A = arith.xori %bitcast_convert_type3A, %and3A_20 : vector<16xi32>
    %mul3A_21 = arith.constant 16 : i32
    %mul3A_22 = arith.muli %add3A_7, %mul3A_21 : i32
    %get3A_23 = arith.index_cast %mul3A_22 : i32 to index
    %get3A_24 = tpu.vector_load %arg6[%get3A_23] {strides = array<i32>} : memref<576xf32, #tpu.memory_space<vmem>>, vector<16xf32>,
    %add3A_25 = arith.constant 0.000000e+00 : f32
    %add3A_26 = vector.broadcast %add3A_25 : f32 to vector<16xf32>
    %add3A_27 = arith.addf %get3A_24, %add3A_26 : vector<16xf32>
    %bitcast_convert_type3A_28 = tpu.bitcast %add3A_27 : vector<16xf32> -> vector<16xi32>
    %shift_right_arithmetic3A_29 = arith.constant 31 : i32
    %shift_right_arithmetic3A_30 = vector.broadcast %shift_right_arithmetic3A_29 : i32 to vector<16xi32>
    %shift_right_arithmetic3A_31 = arith.shrsi %bitcast_convert_type3A_28, %shift_right_arithmetic3A_30 : vector<16xi32>
    %and3A_32 = arith.constant 2147483647 : i32
    %and3A_33 = vector.broadcast %and3A_32 : i32 to vector<16xi32>
    %and3A_34 = arith.andi %shift_right_arithmetic3A_31, %and3A_33 : vector<16xi32>
    %xor3A_35 = arith.xori %bitcast_convert_type3A_28, %and3A_34 : vector<16xi32>
    %mul3A_36 = arith.constant 16 : i32
    %mul3A_37 = arith.muli %select_n3A, %mul3A_36 : i32
    %get3A_38 = arith.index_cast %mul3A_37 : i32 to index
    %get3A_39 = tpu.vector_load %arg6[%get3A_38] {strides = array<i32>} : memref<576xf32, #tpu.memory_space<vmem>>, vector<16xf32>,
    %add3A_40 = arith.constant 0.000000e+00 : f32
    %add3A_41 = vector.broadcast %add3A_40 : f32 to vector<16xf32>
    %add3A_42 = arith.addf %get3A_39, %add3A_41 : vector<16xf32>
    %bitcast_convert_type3A_43 = tpu.bitcast %add3A_42 : vector<16xf32> -> vector<16xi32>
    %shift_right_arithmetic3A_44 = arith.constant 31 : i32
    %shift_right_arithmetic3A_45 = vector.broadcast %shift_right_arithmetic3A_44 : i32 to vector<16xi32>
    %shift_right_arithmetic3A_46 = arith.shrsi %bitcast_convert_type3A_43, %shift_right_arithmetic3A_45 : vector<16xi32>
    %and3A_47 = arith.constant 2147483647 : i32
    %and3A_48 = vector.broadcast %and3A_47 : i32 to vector<16xi32>
    %and3A_49 = arith.andi %shift_right_arithmetic3A_46, %and3A_48 : vector<16xi32>
    %xor3A_50 = arith.xori %bitcast_convert_type3A_43, %and3A_49 : vector<16xi32>
    %broadcast_in_dim3A = arith.constant 0 : i32
    %broadcast_in_dim3A_51 = vector.broadcast %broadcast_in_dim3A : i32 to vector<16xi32>
    %scan3A_52 = arith.constant 0 : i32
    %scan3A_53 = arith.constant 36 : i32
    %scan3A_54 = arith.addi %scan3A_52, %scan3A_53 : i32
    %scan3A_55 = arith.constant 1 : i32
    %scan3A_56:3 = scf.for %scan3A_1133 = %scan3A_52 to %scan3A_54 step %scan3A_55 iter_args(%scan3A_1134 = %broadcast_in_dim3A_51, %scan3A_1135 = %broadcast_in_dim3A_51, %scan3A_1136 = %broadcast_in_dim3A_51) -> (vector<16xi32>, vector<16xi32>, vector<16xi32>)  : i32 {
      %mul3A_1137 = arith.constant 16 : i32
      %mul3A_1138 = arith.muli %scan3A_1133, %mul3A_1137 : i32
      %lt3A_1139 = arith.cmpi slt, %scan3A_1133, %arg1 : i32
      %jit3A_1140 = arith.constant 1 : i32
      %jit3A_1141 = arith.constant 0 : i32
      %select_n3A_1142 = arith.select %lt3A_1139, %jit3A_1140, %jit3A_1141 : i32
      %add3A_1143 = vector.broadcast %select_n3A_1142 : i32 to vector<16xi32>
      %add3A_1144 = arith.addi %xor3A, %add3A_1143 : vector<16xi32>
      %add3A_1145 = vector.broadcast %mul3A_1138 : i32 to vector<16xi32>
      %add3A_1146 = arith.addi %broadcast_in_dim3A_51, %add3A_1145 : vector<16xi32>
      %add3A_1147 = arith.constant 7 : i32
      %add3A_1148 = vector.broadcast %add3A_1147 : i32 to vector<16xi32>
      %add3A_1149 = arith.addi %add3A_1146, %add3A_1148 : vector<16xi32>
      %gather3A_1150 = tpu.vector_load_idx %arg7[%add3A_1149] : memref<576xi32, #tpu.memory_space<vmem>>[vector<16xi32>], vector<16xi32>,
      %lt3A_1151 = arith.cmpi slt, %gather3A_1150, %add3A_1144 : vector<16xi32>
      %jit3A_1152 = arith.constant 8 : i32
      %jit3A_1153 = arith.constant 0 : i32
      %broadcast_in_dim3A_1154 = vector.broadcast %jit3A_1152 : i32 to vector<16xi32>
      %broadcast_in_dim3A_1155 = vector.broadcast %jit3A_1153 : i32 to vector<16xi32>
      %select_n3A_1156 = arith.select %lt3A_1151, %broadcast_in_dim3A_1154, %broadcast_in_dim3A_1155 : vector<16xi1>, vector<16xi32>
      %add3A_1157 = arith.addi %add3A_1146, %select_n3A_1156 : vector<16xi32>
      %add3A_1158 = arith.constant 3 : i32
      %add3A_1159 = vector.broadcast %add3A_1158 : i32 to vector<16xi32>
      %add3A_1160 = arith.addi %add3A_1157, %add3A_1159 : vector<16xi32>
      %gather3A_1161 = tpu.vector_load_idx %arg7[%add3A_1160] : memref<576xi32, #tpu.memory_space<vmem>>[vector<16xi32>], vector<16xi32>,
      %lt3A_1162 = arith.cmpi slt, %gather3A_1161, %add3A_1144 : vector<16xi32>
      %jit3A_1163 = arith.constant 4 : i32
      %jit3A_1164 = arith.constant 0 : i32
      %broadcast_in_dim3A_1165 = vector.broadcast %jit3A_1163 : i32 to vector<16xi32>
      %broadcast_in_dim3A_1166 = vector.broadcast %jit3A_1164 : i32 to vector<16xi32>
      %select_n3A_1167 = arith.select %lt3A_1162, %broadcast_in_dim3A_1165, %broadcast_in_dim3A_1166 : vector<16xi1>, vector<16xi32>
      %add3A_1168 = arith.addi %add3A_1157, %select_n3A_1167 : vector<16xi32>
      %add3A_1169 = arith.constant 1 : i32
      %add3A_1170 = vector.broadcast %add3A_1169 : i32 to vector<16xi32>
      %add3A_1171 = arith.addi %add3A_1168, %add3A_1170 : vector<16xi32>
      %gather3A_1172 = tpu.vector_load_idx %arg7[%add3A_1171] : memref<576xi32, #tpu.memory_space<vmem>>[vector<16xi32>], vector<16xi32>,
      %lt3A_1173 = arith.cmpi slt, %gather3A_1172, %add3A_1144 : vector<16xi32>
      %jit3A_1174 = arith.constant 2 : i32
      %jit3A_1175 = arith.constant 0 : i32
      %broadcast_in_dim3A_1176 = vector.broadcast %jit3A_1174 : i32 to vector<16xi32>
      %broadcast_in_dim3A_1177 = vector.broadcast %jit3A_1175 : i32 to vector<16xi32>
      %select_n3A_1178 = arith.select %lt3A_1173, %broadcast_in_dim3A_1176, %broadcast_in_dim3A_1177 : vector<16xi1>, vector<16xi32>
      %add3A_1179 = arith.addi %add3A_1168, %select_n3A_1178 : vector<16xi32>
      %add3A_1180 = arith.constant 0 : i32
      %add3A_1181 = vector.broadcast %add3A_1180 : i32 to vector<16xi32>
      %add3A_1182 = arith.addi %add3A_1179, %add3A_1181 : vector<16xi32>
      %gather3A_1183 = tpu.vector_load_idx %arg7[%add3A_1182] : memref<576xi32, #tpu.memory_space<vmem>>[vector<16xi32>], vector<16xi32>,
      %lt3A_1184 = arith.cmpi slt, %gather3A_1183, %add3A_1144 : vector<16xi32>
      %jit3A_1185 = arith.constant 1 : i32
      %jit3A_1186 = arith.constant 0 : i32
      %broadcast_in_dim3A_1187 = vector.broadcast %jit3A_1185 : i32 to vector<16xi32>
      %broadcast_in_dim3A_1188 = vector.broadcast %jit3A_1186 : i32 to vector<16xi32>
      %select_n3A_1189 = arith.select %lt3A_1184, %broadcast_in_dim3A_1187, %broadcast_in_dim3A_1188 : vector<16xi1>, vector<16xi32>
      %add3A_1190 = arith.addi %add3A_1179, %select_n3A_1189 : vector<16xi32>
      %add3A_1191 = arith.constant 0 : i32
      %add3A_1192 = vector.broadcast %add3A_1191 : i32 to vector<16xi32>
      %add3A_1193 = arith.addi %add3A_1190, %add3A_1192 : vector<16xi32>
      %gather3A_1194 = tpu.vector_load_idx %arg7[%add3A_1193] : memref<576xi32, #tpu.memory_space<vmem>>[vector<16xi32>], vector<16xi32>,
      %lt3A_1195 = arith.cmpi slt, %gather3A_1194, %add3A_1144 : vector<16xi32>
      %jit3A_1196 = arith.constant 1 : i32
      %jit3A_1197 = arith.constant 0 : i32
      %broadcast_in_dim3A_1198 = vector.broadcast %jit3A_1196 : i32 to vector<16xi32>
      %broadcast_in_dim3A_1199 = vector.broadcast %jit3A_1197 : i32 to vector<16xi32>
      %select_n3A_1200 = arith.select %lt3A_1195, %broadcast_in_dim3A_1198, %broadcast_in_dim3A_1199 : vector<16xi1>, vector<16xi32>
      %add3A_1201 = arith.addi %add3A_1190, %select_n3A_1200 : vector<16xi32>
      %eq3A_1202 = arith.cmpi eq, %scan3A_1133, %arg1 : i32
      %sub3A_1203 = vector.broadcast %mul3A_1138 : i32 to vector<16xi32>
      %sub3A_1204 = arith.subi %add3A_1201, %sub3A_1203 : vector<16xi32>
      %jit3A_1205 = arith.constant 0 : i32
      %broadcast_in_dim3A_1206 = vector.broadcast %jit3A_1205 : i32 to vector<16xi32>
      %select_n3A_1207 = arith.select %eq3A_1202, %broadcast_in_dim3A_1206, %sub3A_1204 : vector<16xi32>
      %add3A_1208 = arith.addi %scan3A_1134, %select_n3A_1207 : vector<16xi32>
      %lt3A_1209 = arith.cmpi slt, %scan3A_1133, %add3A_7 : i32
      %jit3A_1210 = arith.constant 1 : i32
      %jit3A_1211 = arith.constant 0 : i32
      %select_n3A_1212 = arith.select %lt3A_1209, %jit3A_1210, %jit3A_1211 : i32
      %add3A_1213 = vector.broadcast %select_n3A_1212 : i32 to vector<16xi32>
      %add3A_1214 = arith.addi %xor3A_35, %add3A_1213 : vector<16xi32>
      %add3A_1215 = vector.broadcast %mul3A_1138 : i32 to vector<16xi32>
      %add3A_1216 = arith.addi %broadcast_in_dim3A_51, %add3A_1215 : vector<16xi32>
      %add3A_1217 = arith.constant 7 : i32
      %add3A_1218 = vector.broadcast %add3A_1217 : i32 to vector<16xi32>
      %add3A_1219 = arith.addi %add3A_1216, %add3A_1218 : vector<16xi32>
      %gather3A_1220 = tpu.vector_load_idx %arg7[%add3A_1219] : memref<576xi32, #tpu.memory_space<vmem>>[vector<16xi32>], vector<16xi32>,
      %lt3A_1221 = arith.cmpi slt, %gather3A_1220, %add3A_1214 : vector<16xi32>
      %jit3A_1222 = arith.constant 8 : i32
      %jit3A_1223 = arith.constant 0 : i32
      %broadcast_in_dim3A_1224 = vector.broadcast %jit3A_1222 : i32 to vector<16xi32>
      %broadcast_in_dim3A_1225 = vector.broadcast %jit3A_1223 : i32 to vector<16xi32>
      %select_n3A_1226 = arith.select %lt3A_1221, %broadcast_in_dim3A_1224, %broadcast_in_dim3A_1225 : vector<16xi1>, vector<16xi32>
      %add3A_1227 = arith.addi %add3A_1216, %select_n3A_1226 : vector<16xi32>
      %add3A_1228 = arith.constant 3 : i32
      %add3A_1229 = vector.broadcast %add3A_1228 : i32 to vector<16xi32>
      %add3A_1230 = arith.addi %add3A_1227, %add3A_1229 : vector<16xi32>
      %gather3A_1231 = tpu.vector_load_idx %arg7[%add3A_1230] : memref<576xi32, #tpu.memory_space<vmem>>[vector<16xi32>], vector<16xi32>,
      %lt3A_1232 = arith.cmpi slt, %gather3A_1231, %add3A_1214 : vector<16xi32>
      %jit3A_1233 = arith.constant 4 : i32
      %jit3A_1234 = arith.constant 0 : i32
      %broadcast_in_dim3A_1235 = vector.broadcast %jit3A_1233 : i32 to vector<16xi32>
      %broadcast_in_dim3A_1236 = vector.broadcast %jit3A_1234 : i32 to vector<16xi32>
      %select_n3A_1237 = arith.select %lt3A_1232, %broadcast_in_dim3A_1235, %broadcast_in_dim3A_1236 : vector<16xi1>, vector<16xi32>
      %add3A_1238 = arith.addi %add3A_1227, %select_n3A_1237 : vector<16xi32>
      %add3A_1239 = arith.constant 1 : i32
      %add3A_1240 = vector.broadcast %add3A_1239 : i32 to vector<16xi32>
      %add3A_1241 = arith.addi %add3A_1238, %add3A_1240 : vector<16xi32>
      %gather3A_1242 = tpu.vector_load_idx %arg7[%add3A_1241] : memref<576xi32, #tpu.memory_space<vmem>>[vector<16xi32>], vector<16xi32>,
      %lt3A_1243 = arith.cmpi slt, %gather3A_1242, %add3A_1214 : vector<16xi32>
      %jit3A_1244 = arith.constant 2 : i32
      %jit3A_1245 = arith.constant 0 : i32
      %broadcast_in_dim3A_1246 = vector.broadcast %jit3A_1244 : i32 to vector<16xi32>
      %broadcast_in_dim3A_1247 = vector.broadcast %jit3A_1245 : i32 to vector<16xi32>
      %select_n3A_1248 = arith.select %lt3A_1243, %broadcast_in_dim3A_1246, %broadcast_in_dim3A_1247 : vector<16xi1>, vector<16xi32>
      %add3A_1249 = arith.addi %add3A_1238, %select_n3A_1248 : vector<16xi32>
      %add3A_1250 = arith.constant 0 : i32
      %add3A_1251 = vector.broadcast %add3A_1250 : i32 to vector<16xi32>
      %add3A_1252 = arith.addi %add3A_1249, %add3A_1251 : vector<16xi32>
      %gather3A_1253 = tpu.vector_load_idx %arg7[%add3A_1252] : memref<576xi32, #tpu.memory_space<vmem>>[vector<16xi32>], vector<16xi32>,
      %lt3A_1254 = arith.cmpi slt, %gather3A_1253, %add3A_1214 : vector<16xi32>
      %jit3A_1255 = arith.constant 1 : i32
      %jit3A_1256 = arith.constant 0 : i32
      %broadcast_in_dim3A_1257 = vector.broadcast %jit3A_1255 : i32 to vector<16xi32>
      %broadcast_in_dim3A_1258 = vector.broadcast %jit3A_1256 : i32 to vector<16xi32>
      %select_n3A_1259 = arith.select %lt3A_1254, %broadcast_in_dim3A_1257, %broadcast_in_dim3A_1258 : vector<16xi1>, vector<16xi32>
      %add3A_1260 = arith.addi %add3A_1249, %select_n3A_1259 : vector<16xi32>
      %add3A_1261 = arith.constant 0 : i32
      %add3A_1262 = vector.broadcast %add3A_1261 : i32 to vector<16xi32>
      %add3A_1263 = arith.addi %add3A_1260, %add3A_1262 : vector<16xi32>
      %gather3A_1264 = tpu.vector_load_idx %arg7[%add3A_1263] : memref<576xi32, #tpu.memory_space<vmem>>[vector<16xi32>], vector<16xi32>,
      %lt3A_1265 = arith.cmpi slt, %gather3A_1264, %add3A_1214 : vector<16xi32>
      %jit3A_1266 = arith.constant 1 : i32
      %jit3A_1267 = arith.constant 0 : i32
      %broadcast_in_dim3A_1268 = vector.broadcast %jit3A_1266 : i32 to vector<16xi32>
      %broadcast_in_dim3A_1269 = vector.broadcast %jit3A_1267 : i32 to vector<16xi32>
      %select_n3A_1270 = arith.select %lt3A_1265, %broadcast_in_dim3A_1268, %broadcast_in_dim3A_1269 : vector<16xi1>, vector<16xi32>
      %add3A_1271 = arith.addi %add3A_1260, %select_n3A_1270 : vector<16xi32>
      %eq3A_1272 = arith.cmpi eq, %scan3A_1133, %add3A_7 : i32
      %sub3A_1273 = vector.broadcast %mul3A_1138 : i32 to vector<16xi32>
      %sub3A_1274 = arith.subi %add3A_1271, %sub3A_1273 : vector<16xi32>
      %jit3A_1275 = arith.constant 0 : i32
      %broadcast_in_dim3A_1276 = vector.broadcast %jit3A_1275 : i32 to vector<16xi32>
      %select_n3A_1277 = arith.select %eq3A_1272, %broadcast_in_dim3A_1276, %sub3A_1274 : vector<16xi32>
      %add3A_1278 = arith.addi %scan3A_1135, %select_n3A_1277 : vector<16xi32>
      %lt3A_1279 = arith.cmpi slt, %scan3A_1133, %select_n3A : i32
      %jit3A_1280 = arith.constant 1 : i32
      %jit3A_1281 = arith.constant 0 : i32
      %select_n3A_1282 = arith.select %lt3A_1279, %jit3A_1280, %jit3A_1281 : i32
      %add3A_1283 = vector.broadcast %select_n3A_1282 : i32 to vector<16xi32>
      %add3A_1284 = arith.addi %xor3A_50, %add3A_1283 : vector<16xi32>
      %add3A_1285 = vector.broadcast %mul3A_1138 : i32 to vector<16xi32>
      %add3A_1286 = arith.addi %broadcast_in_dim3A_51, %add3A_1285 : vector<16xi32>
      %add3A_1287 = arith.constant 7 : i32
      %add3A_1288 = vector.broadcast %add3A_1287 : i32 to vector<16xi32>
      %add3A_1289 = arith.addi %add3A_1286, %add3A_1288 : vector<16xi32>
      %gather3A_1290 = tpu.vector_load_idx %arg7[%add3A_1289] : memref<576xi32, #tpu.memory_space<vmem>>[vector<16xi32>], vector<16xi32>,
      %lt3A_1291 = arith.cmpi slt, %gather3A_1290, %add3A_1284 : vector<16xi32>
      %jit3A_1292 = arith.constant 8 : i32
      %jit3A_1293 = arith.constant 0 : i32
      %broadcast_in_dim3A_1294 = vector.broadcast %jit3A_1292 : i32 to vector<16xi32>
      %broadcast_in_dim3A_1295 = vector.broadcast %jit3A_1293 : i32 to vector<16xi32>
      %select_n3A_1296 = arith.select %lt3A_1291, %broadcast_in_dim3A_1294, %broadcast_in_dim3A_1295 : vector<16xi1>, vector<16xi32>
      %add3A_1297 = arith.addi %add3A_1286, %select_n3A_1296 : vector<16xi32>
      %add3A_1298 = arith.constant 3 : i32
      %add3A_1299 = vector.broadcast %add3A_1298 : i32 to vector<16xi32>
      %add3A_1300 = arith.addi %add3A_1297, %add3A_1299 : vector<16xi32>
      %gather3A_1301 = tpu.vector_load_idx %arg7[%add3A_1300] : memref<576xi32, #tpu.memory_space<vmem>>[vector<16xi32>], vector<16xi32>,
      %lt3A_1302 = arith.cmpi slt, %gather3A_1301, %add3A_1284 : vector<16xi32>
      %jit3A_1303 = arith.constant 4 : i32
      %jit3A_1304 = arith.constant 0 : i32
      %broadcast_in_dim3A_1305 = vector.broadcast %jit3A_1303 : i32 to vector<16xi32>
      %broadcast_in_dim3A_1306 = vector.broadcast %jit3A_1304 : i32 to vector<16xi32>
      %select_n3A_1307 = arith.select %lt3A_1302, %broadcast_in_dim3A_1305, %broadcast_in_dim3A_1306 : vector<16xi1>, vector<16xi32>
      %add3A_1308 = arith.addi %add3A_1297, %select_n3A_1307 : vector<16xi32>
      %add3A_1309 = arith.constant 1 : i32
      %add3A_1310 = vector.broadcast %add3A_1309 : i32 to vector<16xi32>
      %add3A_1311 = arith.addi %add3A_1308, %add3A_1310 : vector<16xi32>
      %gather3A_1312 = tpu.vector_load_idx %arg7[%add3A_1311] : memref<576xi32, #tpu.memory_space<vmem>>[vector<16xi32>], vector<16xi32>,
      %lt3A_1313 = arith.cmpi slt, %gather3A_1312, %add3A_1284 : vector<16xi32>
      %jit3A_1314 = arith.constant 2 : i32
      %jit3A_1315 = arith.constant 0 : i32
      %broadcast_in_dim3A_1316 = vector.broadcast %jit3A_1314 : i32 to vector<16xi32>
      %broadcast_in_dim3A_1317 = vector.broadcast %jit3A_1315 : i32 to vector<16xi32>
      %select_n3A_1318 = arith.select %lt3A_1313, %broadcast_in_dim3A_1316, %broadcast_in_dim3A_1317 : vector<16xi1>, vector<16xi32>
      %add3A_1319 = arith.addi %add3A_1308, %select_n3A_1318 : vector<16xi32>
      %add3A_1320 = arith.constant 0 : i32
      %add3A_1321 = vector.broadcast %add3A_1320 : i32 to vector<16xi32>
      %add3A_1322 = arith.addi %add3A_1319, %add3A_1321 : vector<16xi32>
      %gather3A_1323 = tpu.vector_load_idx %arg7[%add3A_1322] : memref<576xi32, #tpu.memory_space<vmem>>[vector<16xi32>], vector<16xi32>,
      %lt3A_1324 = arith.cmpi slt, %gather3A_1323, %add3A_1284 : vector<16xi32>
      %jit3A_1325 = arith.constant 1 : i32
      %jit3A_1326 = arith.constant 0 : i32
      %broadcast_in_dim3A_1327 = vector.broadcast %jit3A_1325 : i32 to vector<16xi32>
      %broadcast_in_dim3A_1328 = vector.broadcast %jit3A_1326 : i32 to vector<16xi32>
      %select_n3A_1329 = arith.select %lt3A_1324, %broadcast_in_dim3A_1327, %broadcast_in_dim3A_1328 : vector<16xi1>, vector<16xi32>
      %add3A_1330 = arith.addi %add3A_1319, %select_n3A_1329 : vector<16xi32>
      %add3A_1331 = arith.constant 0 : i32
      %add3A_1332 = vector.broadcast %add3A_1331 : i32 to vector<16xi32>
      %add3A_1333 = arith.addi %add3A_1330, %add3A_1332 : vector<16xi32>
      %gather3A_1334 = tpu.vector_load_idx %arg7[%add3A_1333] : memref<576xi32, #tpu.memory_space<vmem>>[vector<16xi32>], vector<16xi32>,
      %lt3A_1335 = arith.cmpi slt, %gather3A_1334, %add3A_1284 : vector<16xi32>
      %jit3A_1336 = arith.constant 1 : i32
      %jit3A_1337 = arith.constant 0 : i32
      %broadcast_in_dim3A_1338 = vector.broadcast %jit3A_1336 : i32 to vector<16xi32>
      %broadcast_in_dim3A_1339 = vector.broadcast %jit3A_1337 : i32 to vector<16xi32>
      %select_n3A_1340 = arith.select %lt3A_1335, %broadcast_in_dim3A_1338, %broadcast_in_dim3A_1339 : vector<16xi1>, vector<16xi32>
      %add3A_1341 = arith.addi %add3A_1330, %select_n3A_1340 : vector<16xi32>
      %eq3A_1342 = arith.cmpi eq, %scan3A_1133, %select_n3A : i32
      %sub3A_1343 = vector.broadcast %mul3A_1138 : i32 to vector<16xi32>
      %sub3A_1344 = arith.subi %add3A_1341, %sub3A_1343 : vector<16xi32>
      %jit3A_1345 = arith.constant 0 : i32
      %broadcast_in_dim3A_1346 = vector.broadcast %jit3A_1345 : i32 to vector<16xi32>
      %select_n3A_1347 = arith.select %eq3A_1342, %broadcast_in_dim3A_1346, %sub3A_1344 : vector<16xi32>
      %add3A_1348 = arith.addi %scan3A_1136, %select_n3A_1347 : vector<16xi32>
      scf.yield %add3A_1208, %add3A_1278, %add3A_1348 : vector<16xi32>, vector<16xi32>, vector<16xi32>
    }
    %scan3A_57 = arith.constant 36 : i32
    %iota3A = tpu.iota {dimensions = array<i32: 0>} : vector<16xi32>
    %gt3A = arith.constant 0 : i32
    %gt3A_58 = vector.broadcast %gt3A : i32 to vector<16xi32>
    %gt3A_59 = arith.cmpi sgt, %iota3A, %gt3A_58 : vector<16xi32>
    %jit3A = arith.constant 1 : i32
    %jit3A_60 = arith.constant 0 : i32
    %broadcast_in_dim3A_61 = vector.broadcast %jit3A : i32 to vector<16xi32>
    %broadcast_in_dim3A_62 = vector.broadcast %jit3A_60 : i32 to vector<16xi32>
    %select_n3A_63 = arith.select %gt3A_59, %broadcast_in_dim3A_61, %broadcast_in_dim3A_62 : vector<16xi1>, vector<16xi32>
    %add3A_64 = arith.addi %xor3A, %select_n3A_63 : vector<16xi32>
    %slice3A = vector.extract_strided_slice %xor3A {offsets = [0], sizes = [1], strides = [1]} : vector<16xi32> to vector<1xi32>
    %squeeze3A = vector.extract %slice3A[0] : i32 from vector<1xi32>
    %lt3A_65 = vector.broadcast %squeeze3A : i32 to vector<16xi32>
    %lt3A_66 = arith.cmpi slt, %lt3A_65, %add3A_64 : vector<16xi32>
    %jit3A_67 = arith.constant 1 : i32
    %jit3A_68 = arith.constant 0 : i32
    %broadcast_in_dim3A_69 = vector.broadcast %jit3A_67 : i32 to vector<16xi32>
    %broadcast_in_dim3A_70 = vector.broadcast %jit3A_68 : i32 to vector<16xi32>
    %select_n3A_71 = arith.select %lt3A_66, %broadcast_in_dim3A_69, %broadcast_in_dim3A_70 : vector<16xi1>, vector<16xi32>
    %add3A_72 = arith.addi %scan3A_56#0, %select_n3A_71 : vector<16xi32>
    %gt3A_73 = arith.constant 1 : i32
    %gt3A_74 = vector.broadcast %gt3A_73 : i32 to vector<16xi32>
    %gt3A_75 = arith.cmpi sgt, %iota3A, %gt3A_74 : vector<16xi32>
    %jit3A_76 = arith.constant 1 : i32
    %jit3A_77 = arith.constant 0 : i32
    %broadcast_in_dim3A_78 = vector.broadcast %jit3A_76 : i32 to vector<16xi32>
    %broadcast_in_dim3A_79 = vector.broadcast %jit3A_77 : i32 to vector<16xi32>
    %select_n3A_80 = arith.select %gt3A_75, %broadcast_in_dim3A_78, %broadcast_in_dim3A_79 : vector<16xi1>, vector<16xi32>
    %add3A_81 = arith.addi %xor3A, %select_n3A_80 : vector<16xi32>
    %slice3A_82 = vector.extract_strided_slice %xor3A {offsets = [1], sizes = [1], strides = [1]} : vector<16xi32> to vector<1xi32>
    %squeeze3A_83 = vector.extract %slice3A_82[0] : i32 from vector<1xi32>
    %lt3A_84 = vector.broadcast %squeeze3A_83 : i32 to vector<16xi32>
    %lt3A_85 = arith.cmpi slt, %lt3A_84, %add3A_81 : vector<16xi32>
    %jit3A_86 = arith.constant 1 : i32
    %jit3A_87 = arith.constant 0 : i32
    %broadcast_in_dim3A_88 = vector.broadcast %jit3A_86 : i32 to vector<16xi32>
    %broadcast_in_dim3A_89 = vector.broadcast %jit3A_87 : i32 to vector<16xi32>
    %select_n3A_90 = arith.select %lt3A_85, %broadcast_in_dim3A_88, %broadcast_in_dim3A_89 : vector<16xi1>, vector<16xi32>
    %add3A_91 = arith.addi %add3A_72, %select_n3A_90 : vector<16xi32>
    %gt3A_92 = arith.constant 2 : i32
    %gt3A_93 = vector.broadcast %gt3A_92 : i32 to vector<16xi32>
    %gt3A_94 = arith.cmpi sgt, %iota3A, %gt3A_93 : vector<16xi32>
    %jit3A_95 = arith.constant 1 : i32
    %jit3A_96 = arith.constant 0 : i32
    %broadcast_in_dim3A_97 = vector.broadcast %jit3A_95 : i32 to vector<16xi32>
    %broadcast_in_dim3A_98 = vector.broadcast %jit3A_96 : i32 to vector<16xi32>
    %select_n3A_99 = arith.select %gt3A_94, %broadcast_in_dim3A_97, %broadcast_in_dim3A_98 : vector<16xi1>, vector<16xi32>
    %add3A_100 = arith.addi %xor3A, %select_n3A_99 : vector<16xi32>
    %slice3A_101 = vector.extract_strided_slice %xor3A {offsets = [2], sizes = [1], strides = [1]} : vector<16xi32> to vector<1xi32>
    %squeeze3A_102 = vector.extract %slice3A_101[0] : i32 from vector<1xi32>
    %lt3A_103 = vector.broadcast %squeeze3A_102 : i32 to vector<16xi32>
    %lt3A_104 = arith.cmpi slt, %lt3A_103, %add3A_100 : vector<16xi32>
    %jit3A_105 = arith.constant 1 : i32
    %jit3A_106 = arith.constant 0 : i32
    %broadcast_in_dim3A_107 = vector.broadcast %jit3A_105 : i32 to vector<16xi32>
    %broadcast_in_dim3A_108 = vector.broadcast %jit3A_106 : i32 to vector<16xi32>
    %select_n3A_109 = arith.select %lt3A_104, %broadcast_in_dim3A_107, %broadcast_in_dim3A_108 : vector<16xi1>, vector<16xi32>
    %add3A_110 = arith.addi %add3A_91, %select_n3A_109 : vector<16xi32>
    %gt3A_111 = arith.constant 3 : i32
    %gt3A_112 = vector.broadcast %gt3A_111 : i32 to vector<16xi32>
    %gt3A_113 = arith.cmpi sgt, %iota3A, %gt3A_112 : vector<16xi32>
    %jit3A_114 = arith.constant 1 : i32
    %jit3A_115 = arith.constant 0 : i32
    %broadcast_in_dim3A_116 = vector.broadcast %jit3A_114 : i32 to vector<16xi32>
    %broadcast_in_dim3A_117 = vector.broadcast %jit3A_115 : i32 to vector<16xi32>
    %select_n3A_118 = arith.select %gt3A_113, %broadcast_in_dim3A_116, %broadcast_in_dim3A_117 : vector<16xi1>, vector<16xi32>
    %add3A_119 = arith.addi %xor3A, %select_n3A_118 : vector<16xi32>
    %slice3A_120 = vector.extract_strided_slice %xor3A {offsets = [3], sizes = [1], strides = [1]} : vector<16xi32> to vector<1xi32>
    %squeeze3A_121 = vector.extract %slice3A_120[0] : i32 from vector<1xi32>
    %lt3A_122 = vector.broadcast %squeeze3A_121 : i32 to vector<16xi32>
    %lt3A_123 = arith.cmpi slt, %lt3A_122, %add3A_119 : vector<16xi32>
    %jit3A_124 = arith.constant 1 : i32
    %jit3A_125 = arith.constant 0 : i32
    %broadcast_in_dim3A_126 = vector.broadcast %jit3A_124 : i32 to vector<16xi32>
    %broadcast_in_dim3A_127 = vector.broadcast %jit3A_125 : i32 to vector<16xi32>
    %select_n3A_128 = arith.select %lt3A_123, %broadcast_in_dim3A_126, %broadcast_in_dim3A_127 : vector<16xi1>, vector<16xi32>
    %add3A_129 = arith.addi %add3A_110, %select_n3A_128 : vector<16xi32>
    %gt3A_130 = arith.constant 4 : i32
    %gt3A_131 = vector.broadcast %gt3A_130 : i32 to vector<16xi32>
    %gt3A_132 = arith.cmpi sgt, %iota3A, %gt3A_131 : vector<16xi32>
    %jit3A_133 = arith.constant 1 : i32
    %jit3A_134 = arith.constant 0 : i32
    %broadcast_in_dim3A_135 = vector.broadcast %jit3A_133 : i32 to vector<16xi32>
    %broadcast_in_dim3A_136 = vector.broadcast %jit3A_134 : i32 to vector<16xi32>
    %select_n3A_137 = arith.select %gt3A_132, %broadcast_in_dim3A_135, %broadcast_in_dim3A_136 : vector<16xi1>, vector<16xi32>
    %add3A_138 = arith.addi %xor3A, %select_n3A_137 : vector<16xi32>
    %slice3A_139 = vector.extract_strided_slice %xor3A {offsets = [4], sizes = [1], strides = [1]} : vector<16xi32> to vector<1xi32>
    %squeeze3A_140 = vector.extract %slice3A_139[0] : i32 from vector<1xi32>
    %lt3A_141 = vector.broadcast %squeeze3A_140 : i32 to vector<16xi32>
    %lt3A_142 = arith.cmpi slt, %lt3A_141, %add3A_138 : vector<16xi32>
    %jit3A_143 = arith.constant 1 : i32
    %jit3A_144 = arith.constant 0 : i32
    %broadcast_in_dim3A_145 = vector.broadcast %jit3A_143 : i32 to vector<16xi32>
    %broadcast_in_dim3A_146 = vector.broadcast %jit3A_144 : i32 to vector<16xi32>
    %select_n3A_147 = arith.select %lt3A_142, %broadcast_in_dim3A_145, %broadcast_in_dim3A_146 : vector<16xi1>, vector<16xi32>
    %add3A_148 = arith.addi %add3A_129, %select_n3A_147 : vector<16xi32>
    %gt3A_149 = arith.constant 5 : i32
    %gt3A_150 = vector.broadcast %gt3A_149 : i32 to vector<16xi32>
    %gt3A_151 = arith.cmpi sgt, %iota3A, %gt3A_150 : vector<16xi32>
    %jit3A_152 = arith.constant 1 : i32
    %jit3A_153 = arith.constant 0 : i32
    %broadcast_in_dim3A_154 = vector.broadcast %jit3A_152 : i32 to vector<16xi32>
    %broadcast_in_dim3A_155 = vector.broadcast %jit3A_153 : i32 to vector<16xi32>
    %select_n3A_156 = arith.select %gt3A_151, %broadcast_in_dim3A_154, %broadcast_in_dim3A_155 : vector<16xi1>, vector<16xi32>
    %add3A_157 = arith.addi %xor3A, %select_n3A_156 : vector<16xi32>
    %slice3A_158 = vector.extract_strided_slice %xor3A {offsets = [5], sizes = [1], strides = [1]} : vector<16xi32> to vector<1xi32>
    %squeeze3A_159 = vector.extract %slice3A_158[0] : i32 from vector<1xi32>
    %lt3A_160 = vector.broadcast %squeeze3A_159 : i32 to vector<16xi32>
    %lt3A_161 = arith.cmpi slt, %lt3A_160, %add3A_157 : vector<16xi32>
    %jit3A_162 = arith.constant 1 : i32
    %jit3A_163 = arith.constant 0 : i32
    %broadcast_in_dim3A_164 = vector.broadcast %jit3A_162 : i32 to vector<16xi32>
    %broadcast_in_dim3A_165 = vector.broadcast %jit3A_163 : i32 to vector<16xi32>
    %select_n3A_166 = arith.select %lt3A_161, %broadcast_in_dim3A_164, %broadcast_in_dim3A_165 : vector<16xi1>, vector<16xi32>
    %add3A_167 = arith.addi %add3A_148, %select_n3A_166 : vector<16xi32>
    %gt3A_168 = arith.constant 6 : i32
    %gt3A_169 = vector.broadcast %gt3A_168 : i32 to vector<16xi32>
    %gt3A_170 = arith.cmpi sgt, %iota3A, %gt3A_169 : vector<16xi32>
    %jit3A_171 = arith.constant 1 : i32
    %jit3A_172 = arith.constant 0 : i32
    %broadcast_in_dim3A_173 = vector.broadcast %jit3A_171 : i32 to vector<16xi32>
    %broadcast_in_dim3A_174 = vector.broadcast %jit3A_172 : i32 to vector<16xi32>
    %select_n3A_175 = arith.select %gt3A_170, %broadcast_in_dim3A_173, %broadcast_in_dim3A_174 : vector<16xi1>, vector<16xi32>
    %add3A_176 = arith.addi %xor3A, %select_n3A_175 : vector<16xi32>
    %slice3A_177 = vector.extract_strided_slice %xor3A {offsets = [6], sizes = [1], strides = [1]} : vector<16xi32> to vector<1xi32>
    %squeeze3A_178 = vector.extract %slice3A_177[0] : i32 from vector<1xi32>
    %lt3A_179 = vector.broadcast %squeeze3A_178 : i32 to vector<16xi32>
    %lt3A_180 = arith.cmpi slt, %lt3A_179, %add3A_176 : vector<16xi32>
    %jit3A_181 = arith.constant 1 : i32
    %jit3A_182 = arith.constant 0 : i32
    %broadcast_in_dim3A_183 = vector.broadcast %jit3A_181 : i32 to vector<16xi32>
    %broadcast_in_dim3A_184 = vector.broadcast %jit3A_182 : i32 to vector<16xi32>
    %select_n3A_185 = arith.select %lt3A_180, %broadcast_in_dim3A_183, %broadcast_in_dim3A_184 : vector<16xi1>, vector<16xi32>
    %add3A_186 = arith.addi %add3A_167, %select_n3A_185 : vector<16xi32>
    %gt3A_187 = arith.constant 7 : i32
    %gt3A_188 = vector.broadcast %gt3A_187 : i32 to vector<16xi32>
    %gt3A_189 = arith.cmpi sgt, %iota3A, %gt3A_188 : vector<16xi32>
    %jit3A_190 = arith.constant 1 : i32
    %jit3A_191 = arith.constant 0 : i32
    %broadcast_in_dim3A_192 = vector.broadcast %jit3A_190 : i32 to vector<16xi32>
    %broadcast_in_dim3A_193 = vector.broadcast %jit3A_191 : i32 to vector<16xi32>
    %select_n3A_194 = arith.select %gt3A_189, %broadcast_in_dim3A_192, %broadcast_in_dim3A_193 : vector<16xi1>, vector<16xi32>
    %add3A_195 = arith.addi %xor3A, %select_n3A_194 : vector<16xi32>
    %slice3A_196 = vector.extract_strided_slice %xor3A {offsets = [7], sizes = [1], strides = [1]} : vector<16xi32> to vector<1xi32>
    %squeeze3A_197 = vector.extract %slice3A_196[0] : i32 from vector<1xi32>
    %lt3A_198 = vector.broadcast %squeeze3A_197 : i32 to vector<16xi32>
    %lt3A_199 = arith.cmpi slt, %lt3A_198, %add3A_195 : vector<16xi32>
    %jit3A_200 = arith.constant 1 : i32
    %jit3A_201 = arith.constant 0 : i32
    %broadcast_in_dim3A_202 = vector.broadcast %jit3A_200 : i32 to vector<16xi32>
    %broadcast_in_dim3A_203 = vector.broadcast %jit3A_201 : i32 to vector<16xi32>
    %select_n3A_204 = arith.select %lt3A_199, %broadcast_in_dim3A_202, %broadcast_in_dim3A_203 : vector<16xi1>, vector<16xi32>
    %add3A_205 = arith.addi %add3A_186, %select_n3A_204 : vector<16xi32>
    %gt3A_206 = arith.constant 8 : i32
    %gt3A_207 = vector.broadcast %gt3A_206 : i32 to vector<16xi32>
    %gt3A_208 = arith.cmpi sgt, %iota3A, %gt3A_207 : vector<16xi32>
    %jit3A_209 = arith.constant 1 : i32
    %jit3A_210 = arith.constant 0 : i32
    %broadcast_in_dim3A_211 = vector.broadcast %jit3A_209 : i32 to vector<16xi32>
    %broadcast_in_dim3A_212 = vector.broadcast %jit3A_210 : i32 to vector<16xi32>
    %select_n3A_213 = arith.select %gt3A_208, %broadcast_in_dim3A_211, %broadcast_in_dim3A_212 : vector<16xi1>, vector<16xi32>
    %add3A_214 = arith.addi %xor3A, %select_n3A_213 : vector<16xi32>
    %slice3A_215 = vector.extract_strided_slice %xor3A {offsets = [8], sizes = [1], strides = [1]} : vector<16xi32> to vector<1xi32>
    %squeeze3A_216 = vector.extract %slice3A_215[0] : i32 from vector<1xi32>
    %lt3A_217 = vector.broadcast %squeeze3A_216 : i32 to vector<16xi32>
    %lt3A_218 = arith.cmpi slt, %lt3A_217, %add3A_214 : vector<16xi32>
    %jit3A_219 = arith.constant 1 : i32
    %jit3A_220 = arith.constant 0 : i32
    %broadcast_in_dim3A_221 = vector.broadcast %jit3A_219 : i32 to vector<16xi32>
    %broadcast_in_dim3A_222 = vector.broadcast %jit3A_220 : i32 to vector<16xi32>
    %select_n3A_223 = arith.select %lt3A_218, %broadcast_in_dim3A_221, %broadcast_in_dim3A_222 : vector<16xi1>, vector<16xi32>
    %add3A_224 = arith.addi %add3A_205, %select_n3A_223 : vector<16xi32>
    %gt3A_225 = arith.constant 9 : i32
    %gt3A_226 = vector.broadcast %gt3A_225 : i32 to vector<16xi32>
    %gt3A_227 = arith.cmpi sgt, %iota3A, %gt3A_226 : vector<16xi32>
    %jit3A_228 = arith.constant 1 : i32
    %jit3A_229 = arith.constant 0 : i32
    %broadcast_in_dim3A_230 = vector.broadcast %jit3A_228 : i32 to vector<16xi32>
    %broadcast_in_dim3A_231 = vector.broadcast %jit3A_229 : i32 to vector<16xi32>
    %select_n3A_232 = arith.select %gt3A_227, %broadcast_in_dim3A_230, %broadcast_in_dim3A_231 : vector<16xi1>, vector<16xi32>
    %add3A_233 = arith.addi %xor3A, %select_n3A_232 : vector<16xi32>
    %slice3A_234 = vector.extract_strided_slice %xor3A {offsets = [9], sizes = [1], strides = [1]} : vector<16xi32> to vector<1xi32>
    %squeeze3A_235 = vector.extract %slice3A_234[0] : i32 from vector<1xi32>
    %lt3A_236 = vector.broadcast %squeeze3A_235 : i32 to vector<16xi32>
    %lt3A_237 = arith.cmpi slt, %lt3A_236, %add3A_233 : vector<16xi32>
    %jit3A_238 = arith.constant 1 : i32
    %jit3A_239 = arith.constant 0 : i32
    %broadcast_in_dim3A_240 = vector.broadcast %jit3A_238 : i32 to vector<16xi32>
    %broadcast_in_dim3A_241 = vector.broadcast %jit3A_239 : i32 to vector<16xi32>
    %select_n3A_242 = arith.select %lt3A_237, %broadcast_in_dim3A_240, %broadcast_in_dim3A_241 : vector<16xi1>, vector<16xi32>
    %add3A_243 = arith.addi %add3A_224, %select_n3A_242 : vector<16xi32>
    %gt3A_244 = arith.constant 10 : i32
    %gt3A_245 = vector.broadcast %gt3A_244 : i32 to vector<16xi32>
    %gt3A_246 = arith.cmpi sgt, %iota3A, %gt3A_245 : vector<16xi32>
    %jit3A_247 = arith.constant 1 : i32
    %jit3A_248 = arith.constant 0 : i32
    %broadcast_in_dim3A_249 = vector.broadcast %jit3A_247 : i32 to vector<16xi32>
    %broadcast_in_dim3A_250 = vector.broadcast %jit3A_248 : i32 to vector<16xi32>
    %select_n3A_251 = arith.select %gt3A_246, %broadcast_in_dim3A_249, %broadcast_in_dim3A_250 : vector<16xi1>, vector<16xi32>
    %add3A_252 = arith.addi %xor3A, %select_n3A_251 : vector<16xi32>
    %slice3A_253 = vector.extract_strided_slice %xor3A {offsets = [10], sizes = [1], strides = [1]} : vector<16xi32> to vector<1xi32>
    %squeeze3A_254 = vector.extract %slice3A_253[0] : i32 from vector<1xi32>
    %lt3A_255 = vector.broadcast %squeeze3A_254 : i32 to vector<16xi32>
    %lt3A_256 = arith.cmpi slt, %lt3A_255, %add3A_252 : vector<16xi32>
    %jit3A_257 = arith.constant 1 : i32
    %jit3A_258 = arith.constant 0 : i32
    %broadcast_in_dim3A_259 = vector.broadcast %jit3A_257 : i32 to vector<16xi32>
    %broadcast_in_dim3A_260 = vector.broadcast %jit3A_258 : i32 to vector<16xi32>
    %select_n3A_261 = arith.select %lt3A_256, %broadcast_in_dim3A_259, %broadcast_in_dim3A_260 : vector<16xi1>, vector<16xi32>
    %add3A_262 = arith.addi %add3A_243, %select_n3A_261 : vector<16xi32>
    %gt3A_263 = arith.constant 11 : i32
    %gt3A_264 = vector.broadcast %gt3A_263 : i32 to vector<16xi32>
    %gt3A_265 = arith.cmpi sgt, %iota3A, %gt3A_264 : vector<16xi32>
    %jit3A_266 = arith.constant 1 : i32
    %jit3A_267 = arith.constant 0 : i32
    %broadcast_in_dim3A_268 = vector.broadcast %jit3A_266 : i32 to vector<16xi32>
    %broadcast_in_dim3A_269 = vector.broadcast %jit3A_267 : i32 to vector<16xi32>
    %select_n3A_270 = arith.select %gt3A_265, %broadcast_in_dim3A_268, %broadcast_in_dim3A_269 : vector<16xi1>, vector<16xi32>
    %add3A_271 = arith.addi %xor3A, %select_n3A_270 : vector<16xi32>
    %slice3A_272 = vector.extract_strided_slice %xor3A {offsets = [11], sizes = [1], strides = [1]} : vector<16xi32> to vector<1xi32>
    %squeeze3A_273 = vector.extract %slice3A_272[0] : i32 from vector<1xi32>
    %lt3A_274 = vector.broadcast %squeeze3A_273 : i32 to vector<16xi32>
    %lt3A_275 = arith.cmpi slt, %lt3A_274, %add3A_271 : vector<16xi32>
    %jit3A_276 = arith.constant 1 : i32
    %jit3A_277 = arith.constant 0 : i32
    %broadcast_in_dim3A_278 = vector.broadcast %jit3A_276 : i32 to vector<16xi32>
    %broadcast_in_dim3A_279 = vector.broadcast %jit3A_277 : i32 to vector<16xi32>
    %select_n3A_280 = arith.select %lt3A_275, %broadcast_in_dim3A_278, %broadcast_in_dim3A_279 : vector<16xi1>, vector<16xi32>
    %add3A_281 = arith.addi %add3A_262, %select_n3A_280 : vector<16xi32>
    %gt3A_282 = arith.constant 12 : i32
    %gt3A_283 = vector.broadcast %gt3A_282 : i32 to vector<16xi32>
    %gt3A_284 = arith.cmpi sgt, %iota3A, %gt3A_283 : vector<16xi32>
    %jit3A_285 = arith.constant 1 : i32
    %jit3A_286 = arith.constant 0 : i32
    %broadcast_in_dim3A_287 = vector.broadcast %jit3A_285 : i32 to vector<16xi32>
    %broadcast_in_dim3A_288 = vector.broadcast %jit3A_286 : i32 to vector<16xi32>
    %select_n3A_289 = arith.select %gt3A_284, %broadcast_in_dim3A_287, %broadcast_in_dim3A_288 : vector<16xi1>, vector<16xi32>
    %add3A_290 = arith.addi %xor3A, %select_n3A_289 : vector<16xi32>
    %slice3A_291 = vector.extract_strided_slice %xor3A {offsets = [12], sizes = [1], strides = [1]} : vector<16xi32> to vector<1xi32>
    %squeeze3A_292 = vector.extract %slice3A_291[0] : i32 from vector<1xi32>
    %lt3A_293 = vector.broadcast %squeeze3A_292 : i32 to vector<16xi32>
    %lt3A_294 = arith.cmpi slt, %lt3A_293, %add3A_290 : vector<16xi32>
    %jit3A_295 = arith.constant 1 : i32
    %jit3A_296 = arith.constant 0 : i32
    %broadcast_in_dim3A_297 = vector.broadcast %jit3A_295 : i32 to vector<16xi32>
    %broadcast_in_dim3A_298 = vector.broadcast %jit3A_296 : i32 to vector<16xi32>
    %select_n3A_299 = arith.select %lt3A_294, %broadcast_in_dim3A_297, %broadcast_in_dim3A_298 : vector<16xi1>, vector<16xi32>
    %add3A_300 = arith.addi %add3A_281, %select_n3A_299 : vector<16xi32>
    %gt3A_301 = arith.constant 13 : i32
    %gt3A_302 = vector.broadcast %gt3A_301 : i32 to vector<16xi32>
    %gt3A_303 = arith.cmpi sgt, %iota3A, %gt3A_302 : vector<16xi32>
    %jit3A_304 = arith.constant 1 : i32
    %jit3A_305 = arith.constant 0 : i32
    %broadcast_in_dim3A_306 = vector.broadcast %jit3A_304 : i32 to vector<16xi32>
    %broadcast_in_dim3A_307 = vector.broadcast %jit3A_305 : i32 to vector<16xi32>
    %select_n3A_308 = arith.select %gt3A_303, %broadcast_in_dim3A_306, %broadcast_in_dim3A_307 : vector<16xi1>, vector<16xi32>
    %add3A_309 = arith.addi %xor3A, %select_n3A_308 : vector<16xi32>
    %slice3A_310 = vector.extract_strided_slice %xor3A {offsets = [13], sizes = [1], strides = [1]} : vector<16xi32> to vector<1xi32>
    %squeeze3A_311 = vector.extract %slice3A_310[0] : i32 from vector<1xi32>
    %lt3A_312 = vector.broadcast %squeeze3A_311 : i32 to vector<16xi32>
    %lt3A_313 = arith.cmpi slt, %lt3A_312, %add3A_309 : vector<16xi32>
    %jit3A_314 = arith.constant 1 : i32
    %jit3A_315 = arith.constant 0 : i32
    %broadcast_in_dim3A_316 = vector.broadcast %jit3A_314 : i32 to vector<16xi32>
    %broadcast_in_dim3A_317 = vector.broadcast %jit3A_315 : i32 to vector<16xi32>
    %select_n3A_318 = arith.select %lt3A_313, %broadcast_in_dim3A_316, %broadcast_in_dim3A_317 : vector<16xi1>, vector<16xi32>
    %add3A_319 = arith.addi %add3A_300, %select_n3A_318 : vector<16xi32>
    %gt3A_320 = arith.constant 14 : i32
    %gt3A_321 = vector.broadcast %gt3A_320 : i32 to vector<16xi32>
    %gt3A_322 = arith.cmpi sgt, %iota3A, %gt3A_321 : vector<16xi32>
    %jit3A_323 = arith.constant 1 : i32
    %jit3A_324 = arith.constant 0 : i32
    %broadcast_in_dim3A_325 = vector.broadcast %jit3A_323 : i32 to vector<16xi32>
    %broadcast_in_dim3A_326 = vector.broadcast %jit3A_324 : i32 to vector<16xi32>
    %select_n3A_327 = arith.select %gt3A_322, %broadcast_in_dim3A_325, %broadcast_in_dim3A_326 : vector<16xi1>, vector<16xi32>
    %add3A_328 = arith.addi %xor3A, %select_n3A_327 : vector<16xi32>
    %slice3A_329 = vector.extract_strided_slice %xor3A {offsets = [14], sizes = [1], strides = [1]} : vector<16xi32> to vector<1xi32>
    %squeeze3A_330 = vector.extract %slice3A_329[0] : i32 from vector<1xi32>
    %lt3A_331 = vector.broadcast %squeeze3A_330 : i32 to vector<16xi32>
    %lt3A_332 = arith.cmpi slt, %lt3A_331, %add3A_328 : vector<16xi32>
    %jit3A_333 = arith.constant 1 : i32
    %jit3A_334 = arith.constant 0 : i32
    %broadcast_in_dim3A_335 = vector.broadcast %jit3A_333 : i32 to vector<16xi32>
    %broadcast_in_dim3A_336 = vector.broadcast %jit3A_334 : i32 to vector<16xi32>
    %select_n3A_337 = arith.select %lt3A_332, %broadcast_in_dim3A_335, %broadcast_in_dim3A_336 : vector<16xi1>, vector<16xi32>
    %add3A_338 = arith.addi %add3A_319, %select_n3A_337 : vector<16xi32>
    %gt3A_339 = arith.constant 15 : i32
    %gt3A_340 = vector.broadcast %gt3A_339 : i32 to vector<16xi32>
    %gt3A_341 = arith.cmpi sgt, %iota3A, %gt3A_340 : vector<16xi32>
    %jit3A_342 = arith.constant 1 : i32
    %jit3A_343 = arith.constant 0 : i32
    %broadcast_in_dim3A_344 = vector.broadcast %jit3A_342 : i32 to vector<16xi32>
    %broadcast_in_dim3A_345 = vector.broadcast %jit3A_343 : i32 to vector<16xi32>
    %select_n3A_346 = arith.select %gt3A_341, %broadcast_in_dim3A_344, %broadcast_in_dim3A_345 : vector<16xi1>, vector<16xi32>
    %add3A_347 = arith.addi %xor3A, %select_n3A_346 : vector<16xi32>
    %slice3A_348 = vector.extract_strided_slice %xor3A {offsets = [15], sizes = [1], strides = [1]} : vector<16xi32> to vector<1xi32>
    %squeeze3A_349 = vector.extract %slice3A_348[0] : i32 from vector<1xi32>
    %lt3A_350 = vector.broadcast %squeeze3A_349 : i32 to vector<16xi32>
    %lt3A_351 = arith.cmpi slt, %lt3A_350, %add3A_347 : vector<16xi32>
    %jit3A_352 = arith.constant 1 : i32
    %jit3A_353 = arith.constant 0 : i32
    %broadcast_in_dim3A_354 = vector.broadcast %jit3A_352 : i32 to vector<16xi32>
    %broadcast_in_dim3A_355 = vector.broadcast %jit3A_353 : i32 to vector<16xi32>
    %select_n3A_356 = arith.select %lt3A_351, %broadcast_in_dim3A_354, %broadcast_in_dim3A_355 : vector<16xi1>, vector<16xi32>
    %add3A_357 = arith.addi %add3A_338, %select_n3A_356 : vector<16xi32>
    %gt3A_358 = arith.constant 0 : i32
    %gt3A_359 = vector.broadcast %gt3A_358 : i32 to vector<16xi32>
    %gt3A_360 = arith.cmpi sgt, %iota3A, %gt3A_359 : vector<16xi32>
    %jit3A_361 = arith.constant 1 : i32
    %jit3A_362 = arith.constant 0 : i32
    %broadcast_in_dim3A_363 = vector.broadcast %jit3A_361 : i32 to vector<16xi32>
    %broadcast_in_dim3A_364 = vector.broadcast %jit3A_362 : i32 to vector<16xi32>
    %select_n3A_365 = arith.select %gt3A_360, %broadcast_in_dim3A_363, %broadcast_in_dim3A_364 : vector<16xi1>, vector<16xi32>
    %add3A_366 = arith.addi %xor3A_35, %select_n3A_365 : vector<16xi32>
    %slice3A_367 = vector.extract_strided_slice %xor3A_35 {offsets = [0], sizes = [1], strides = [1]} : vector<16xi32> to vector<1xi32>
    %squeeze3A_368 = vector.extract %slice3A_367[0] : i32 from vector<1xi32>
    %lt3A_369 = vector.broadcast %squeeze3A_368 : i32 to vector<16xi32>
    %lt3A_370 = arith.cmpi slt, %lt3A_369, %add3A_366 : vector<16xi32>
    %jit3A_371 = arith.constant 1 : i32
    %jit3A_372 = arith.constant 0 : i32
    %broadcast_in_dim3A_373 = vector.broadcast %jit3A_371 : i32 to vector<16xi32>
    %broadcast_in_dim3A_374 = vector.broadcast %jit3A_372 : i32 to vector<16xi32>
    %select_n3A_375 = arith.select %lt3A_370, %broadcast_in_dim3A_373, %broadcast_in_dim3A_374 : vector<16xi1>, vector<16xi32>
    %add3A_376 = arith.addi %scan3A_56#1, %select_n3A_375 : vector<16xi32>
    %gt3A_377 = arith.constant 1 : i32
    %gt3A_378 = vector.broadcast %gt3A_377 : i32 to vector<16xi32>
    %gt3A_379 = arith.cmpi sgt, %iota3A, %gt3A_378 : vector<16xi32>
    %jit3A_380 = arith.constant 1 : i32
    %jit3A_381 = arith.constant 0 : i32
    %broadcast_in_dim3A_382 = vector.broadcast %jit3A_380 : i32 to vector<16xi32>
    %broadcast_in_dim3A_383 = vector.broadcast %jit3A_381 : i32 to vector<16xi32>
    %select_n3A_384 = arith.select %gt3A_379, %broadcast_in_dim3A_382, %broadcast_in_dim3A_383 : vector<16xi1>, vector<16xi32>
    %add3A_385 = arith.addi %xor3A_35, %select_n3A_384 : vector<16xi32>
    %slice3A_386 = vector.extract_strided_slice %xor3A_35 {offsets = [1], sizes = [1], strides = [1]} : vector<16xi32> to vector<1xi32>
    %squeeze3A_387 = vector.extract %slice3A_386[0] : i32 from vector<1xi32>
    %lt3A_388 = vector.broadcast %squeeze3A_387 : i32 to vector<16xi32>
    %lt3A_389 = arith.cmpi slt, %lt3A_388, %add3A_385 : vector<16xi32>
    %jit3A_390 = arith.constant 1 : i32
    %jit3A_391 = arith.constant 0 : i32
    %broadcast_in_dim3A_392 = vector.broadcast %jit3A_390 : i32 to vector<16xi32>
    %broadcast_in_dim3A_393 = vector.broadcast %jit3A_391 : i32 to vector<16xi32>
    %select_n3A_394 = arith.select %lt3A_389, %broadcast_in_dim3A_392, %broadcast_in_dim3A_393 : vector<16xi1>, vector<16xi32>
    %add3A_395 = arith.addi %add3A_376, %select_n3A_394 : vector<16xi32>
    %gt3A_396 = arith.constant 2 : i32
    %gt3A_397 = vector.broadcast %gt3A_396 : i32 to vector<16xi32>
    %gt3A_398 = arith.cmpi sgt, %iota3A, %gt3A_397 : vector<16xi32>
    %jit3A_399 = arith.constant 1 : i32
    %jit3A_400 = arith.constant 0 : i32
    %broadcast_in_dim3A_401 = vector.broadcast %jit3A_399 : i32 to vector<16xi32>
    %broadcast_in_dim3A_402 = vector.broadcast %jit3A_400 : i32 to vector<16xi32>
    %select_n3A_403 = arith.select %gt3A_398, %broadcast_in_dim3A_401, %broadcast_in_dim3A_402 : vector<16xi1>, vector<16xi32>
    %add3A_404 = arith.addi %xor3A_35, %select_n3A_403 : vector<16xi32>
    %slice3A_405 = vector.extract_strided_slice %xor3A_35 {offsets = [2], sizes = [1], strides = [1]} : vector<16xi32> to vector<1xi32>
    %squeeze3A_406 = vector.extract %slice3A_405[0] : i32 from vector<1xi32>
    %lt3A_407 = vector.broadcast %squeeze3A_406 : i32 to vector<16xi32>
    %lt3A_408 = arith.cmpi slt, %lt3A_407, %add3A_404 : vector<16xi32>
    %jit3A_409 = arith.constant 1 : i32
    %jit3A_410 = arith.constant 0 : i32
    %broadcast_in_dim3A_411 = vector.broadcast %jit3A_409 : i32 to vector<16xi32>
    %broadcast_in_dim3A_412 = vector.broadcast %jit3A_410 : i32 to vector<16xi32>
    %select_n3A_413 = arith.select %lt3A_408, %broadcast_in_dim3A_411, %broadcast_in_dim3A_412 : vector<16xi1>, vector<16xi32>
    %add3A_414 = arith.addi %add3A_395, %select_n3A_413 : vector<16xi32>
    %gt3A_415 = arith.constant 3 : i32
    %gt3A_416 = vector.broadcast %gt3A_415 : i32 to vector<16xi32>
    %gt3A_417 = arith.cmpi sgt, %iota3A, %gt3A_416 : vector<16xi32>
    %jit3A_418 = arith.constant 1 : i32
    %jit3A_419 = arith.constant 0 : i32
    %broadcast_in_dim3A_420 = vector.broadcast %jit3A_418 : i32 to vector<16xi32>
    %broadcast_in_dim3A_421 = vector.broadcast %jit3A_419 : i32 to vector<16xi32>
    %select_n3A_422 = arith.select %gt3A_417, %broadcast_in_dim3A_420, %broadcast_in_dim3A_421 : vector<16xi1>, vector<16xi32>
    %add3A_423 = arith.addi %xor3A_35, %select_n3A_422 : vector<16xi32>
    %slice3A_424 = vector.extract_strided_slice %xor3A_35 {offsets = [3], sizes = [1], strides = [1]} : vector<16xi32> to vector<1xi32>
    %squeeze3A_425 = vector.extract %slice3A_424[0] : i32 from vector<1xi32>
    %lt3A_426 = vector.broadcast %squeeze3A_425 : i32 to vector<16xi32>
    %lt3A_427 = arith.cmpi slt, %lt3A_426, %add3A_423 : vector<16xi32>
    %jit3A_428 = arith.constant 1 : i32
    %jit3A_429 = arith.constant 0 : i32
    %broadcast_in_dim3A_430 = vector.broadcast %jit3A_428 : i32 to vector<16xi32>
    %broadcast_in_dim3A_431 = vector.broadcast %jit3A_429 : i32 to vector<16xi32>
    %select_n3A_432 = arith.select %lt3A_427, %broadcast_in_dim3A_430, %broadcast_in_dim3A_431 : vector<16xi1>, vector<16xi32>
    %add3A_433 = arith.addi %add3A_414, %select_n3A_432 : vector<16xi32>
    %gt3A_434 = arith.constant 4 : i32
    %gt3A_435 = vector.broadcast %gt3A_434 : i32 to vector<16xi32>
    %gt3A_436 = arith.cmpi sgt, %iota3A, %gt3A_435 : vector<16xi32>
    %jit3A_437 = arith.constant 1 : i32
    %jit3A_438 = arith.constant 0 : i32
    %broadcast_in_dim3A_439 = vector.broadcast %jit3A_437 : i32 to vector<16xi32>
    %broadcast_in_dim3A_440 = vector.broadcast %jit3A_438 : i32 to vector<16xi32>
    %select_n3A_441 = arith.select %gt3A_436, %broadcast_in_dim3A_439, %broadcast_in_dim3A_440 : vector<16xi1>, vector<16xi32>
    %add3A_442 = arith.addi %xor3A_35, %select_n3A_441 : vector<16xi32>
    %slice3A_443 = vector.extract_strided_slice %xor3A_35 {offsets = [4], sizes = [1], strides = [1]} : vector<16xi32> to vector<1xi32>
    %squeeze3A_444 = vector.extract %slice3A_443[0] : i32 from vector<1xi32>
    %lt3A_445 = vector.broadcast %squeeze3A_444 : i32 to vector<16xi32>
    %lt3A_446 = arith.cmpi slt, %lt3A_445, %add3A_442 : vector<16xi32>
    %jit3A_447 = arith.constant 1 : i32
    %jit3A_448 = arith.constant 0 : i32
    %broadcast_in_dim3A_449 = vector.broadcast %jit3A_447 : i32 to vector<16xi32>
    %broadcast_in_dim3A_450 = vector.broadcast %jit3A_448 : i32 to vector<16xi32>
    %select_n3A_451 = arith.select %lt3A_446, %broadcast_in_dim3A_449, %broadcast_in_dim3A_450 : vector<16xi1>, vector<16xi32>
    %add3A_452 = arith.addi %add3A_433, %select_n3A_451 : vector<16xi32>
    %gt3A_453 = arith.constant 5 : i32
    %gt3A_454 = vector.broadcast %gt3A_453 : i32 to vector<16xi32>
    %gt3A_455 = arith.cmpi sgt, %iota3A, %gt3A_454 : vector<16xi32>
    %jit3A_456 = arith.constant 1 : i32
    %jit3A_457 = arith.constant 0 : i32
    %broadcast_in_dim3A_458 = vector.broadcast %jit3A_456 : i32 to vector<16xi32>
    %broadcast_in_dim3A_459 = vector.broadcast %jit3A_457 : i32 to vector<16xi32>
    %select_n3A_460 = arith.select %gt3A_455, %broadcast_in_dim3A_458, %broadcast_in_dim3A_459 : vector<16xi1>, vector<16xi32>
    %add3A_461 = arith.addi %xor3A_35, %select_n3A_460 : vector<16xi32>
    %slice3A_462 = vector.extract_strided_slice %xor3A_35 {offsets = [5], sizes = [1], strides = [1]} : vector<16xi32> to vector<1xi32>
    %squeeze3A_463 = vector.extract %slice3A_462[0] : i32 from vector<1xi32>
    %lt3A_464 = vector.broadcast %squeeze3A_463 : i32 to vector<16xi32>
    %lt3A_465 = arith.cmpi slt, %lt3A_464, %add3A_461 : vector<16xi32>
    %jit3A_466 = arith.constant 1 : i32
    %jit3A_467 = arith.constant 0 : i32
    %broadcast_in_dim3A_468 = vector.broadcast %jit3A_466 : i32 to vector<16xi32>
    %broadcast_in_dim3A_469 = vector.broadcast %jit3A_467 : i32 to vector<16xi32>
    %select_n3A_470 = arith.select %lt3A_465, %broadcast_in_dim3A_468, %broadcast_in_dim3A_469 : vector<16xi1>, vector<16xi32>
    %add3A_471 = arith.addi %add3A_452, %select_n3A_470 : vector<16xi32>
    %gt3A_472 = arith.constant 6 : i32
    %gt3A_473 = vector.broadcast %gt3A_472 : i32 to vector<16xi32>
    %gt3A_474 = arith.cmpi sgt, %iota3A, %gt3A_473 : vector<16xi32>
    %jit3A_475 = arith.constant 1 : i32
    %jit3A_476 = arith.constant 0 : i32
    %broadcast_in_dim3A_477 = vector.broadcast %jit3A_475 : i32 to vector<16xi32>
    %broadcast_in_dim3A_478 = vector.broadcast %jit3A_476 : i32 to vector<16xi32>
    %select_n3A_479 = arith.select %gt3A_474, %broadcast_in_dim3A_477, %broadcast_in_dim3A_478 : vector<16xi1>, vector<16xi32>
    %add3A_480 = arith.addi %xor3A_35, %select_n3A_479 : vector<16xi32>
    %slice3A_481 = vector.extract_strided_slice %xor3A_35 {offsets = [6], sizes = [1], strides = [1]} : vector<16xi32> to vector<1xi32>
    %squeeze3A_482 = vector.extract %slice3A_481[0] : i32 from vector<1xi32>
    %lt3A_483 = vector.broadcast %squeeze3A_482 : i32 to vector<16xi32>
    %lt3A_484 = arith.cmpi slt, %lt3A_483, %add3A_480 : vector<16xi32>
    %jit3A_485 = arith.constant 1 : i32
    %jit3A_486 = arith.constant 0 : i32
    %broadcast_in_dim3A_487 = vector.broadcast %jit3A_485 : i32 to vector<16xi32>
    %broadcast_in_dim3A_488 = vector.broadcast %jit3A_486 : i32 to vector<16xi32>
    %select_n3A_489 = arith.select %lt3A_484, %broadcast_in_dim3A_487, %broadcast_in_dim3A_488 : vector<16xi1>, vector<16xi32>
    %add3A_490 = arith.addi %add3A_471, %select_n3A_489 : vector<16xi32>
    %gt3A_491 = arith.constant 7 : i32
    %gt3A_492 = vector.broadcast %gt3A_491 : i32 to vector<16xi32>
    %gt3A_493 = arith.cmpi sgt, %iota3A, %gt3A_492 : vector<16xi32>
    %jit3A_494 = arith.constant 1 : i32
    %jit3A_495 = arith.constant 0 : i32
    %broadcast_in_dim3A_496 = vector.broadcast %jit3A_494 : i32 to vector<16xi32>
    %broadcast_in_dim3A_497 = vector.broadcast %jit3A_495 : i32 to vector<16xi32>
    %select_n3A_498 = arith.select %gt3A_493, %broadcast_in_dim3A_496, %broadcast_in_dim3A_497 : vector<16xi1>, vector<16xi32>
    %add3A_499 = arith.addi %xor3A_35, %select_n3A_498 : vector<16xi32>
    %slice3A_500 = vector.extract_strided_slice %xor3A_35 {offsets = [7], sizes = [1], strides = [1]} : vector<16xi32> to vector<1xi32>
    %squeeze3A_501 = vector.extract %slice3A_500[0] : i32 from vector<1xi32>
    %lt3A_502 = vector.broadcast %squeeze3A_501 : i32 to vector<16xi32>
    %lt3A_503 = arith.cmpi slt, %lt3A_502, %add3A_499 : vector<16xi32>
    %jit3A_504 = arith.constant 1 : i32
    %jit3A_505 = arith.constant 0 : i32
    %broadcast_in_dim3A_506 = vector.broadcast %jit3A_504 : i32 to vector<16xi32>
    %broadcast_in_dim3A_507 = vector.broadcast %jit3A_505 : i32 to vector<16xi32>
    %select_n3A_508 = arith.select %lt3A_503, %broadcast_in_dim3A_506, %broadcast_in_dim3A_507 : vector<16xi1>, vector<16xi32>
    %add3A_509 = arith.addi %add3A_490, %select_n3A_508 : vector<16xi32>
    %gt3A_510 = arith.constant 8 : i32
    %gt3A_511 = vector.broadcast %gt3A_510 : i32 to vector<16xi32>
    %gt3A_512 = arith.cmpi sgt, %iota3A, %gt3A_511 : vector<16xi32>
    %jit3A_513 = arith.constant 1 : i32
    %jit3A_514 = arith.constant 0 : i32
    %broadcast_in_dim3A_515 = vector.broadcast %jit3A_513 : i32 to vector<16xi32>
    %broadcast_in_dim3A_516 = vector.broadcast %jit3A_514 : i32 to vector<16xi32>
    %select_n3A_517 = arith.select %gt3A_512, %broadcast_in_dim3A_515, %broadcast_in_dim3A_516 : vector<16xi1>, vector<16xi32>
    %add3A_518 = arith.addi %xor3A_35, %select_n3A_517 : vector<16xi32>
    %slice3A_519 = vector.extract_strided_slice %xor3A_35 {offsets = [8], sizes = [1], strides = [1]} : vector<16xi32> to vector<1xi32>
    %squeeze3A_520 = vector.extract %slice3A_519[0] : i32 from vector<1xi32>
    %lt3A_521 = vector.broadcast %squeeze3A_520 : i32 to vector<16xi32>
    %lt3A_522 = arith.cmpi slt, %lt3A_521, %add3A_518 : vector<16xi32>
    %jit3A_523 = arith.constant 1 : i32
    %jit3A_524 = arith.constant 0 : i32
    %broadcast_in_dim3A_525 = vector.broadcast %jit3A_523 : i32 to vector<16xi32>
    %broadcast_in_dim3A_526 = vector.broadcast %jit3A_524 : i32 to vector<16xi32>
    %select_n3A_527 = arith.select %lt3A_522, %broadcast_in_dim3A_525, %broadcast_in_dim3A_526 : vector<16xi1>, vector<16xi32>
    %add3A_528 = arith.addi %add3A_509, %select_n3A_527 : vector<16xi32>
    %gt3A_529 = arith.constant 9 : i32
    %gt3A_530 = vector.broadcast %gt3A_529 : i32 to vector<16xi32>
    %gt3A_531 = arith.cmpi sgt, %iota3A, %gt3A_530 : vector<16xi32>
    %jit3A_532 = arith.constant 1 : i32
    %jit3A_533 = arith.constant 0 : i32
    %broadcast_in_dim3A_534 = vector.broadcast %jit3A_532 : i32 to vector<16xi32>
    %broadcast_in_dim3A_535 = vector.broadcast %jit3A_533 : i32 to vector<16xi32>
    %select_n3A_536 = arith.select %gt3A_531, %broadcast_in_dim3A_534, %broadcast_in_dim3A_535 : vector<16xi1>, vector<16xi32>
    %add3A_537 = arith.addi %xor3A_35, %select_n3A_536 : vector<16xi32>
    %slice3A_538 = vector.extract_strided_slice %xor3A_35 {offsets = [9], sizes = [1], strides = [1]} : vector<16xi32> to vector<1xi32>
    %squeeze3A_539 = vector.extract %slice3A_538[0] : i32 from vector<1xi32>
    %lt3A_540 = vector.broadcast %squeeze3A_539 : i32 to vector<16xi32>
    %lt3A_541 = arith.cmpi slt, %lt3A_540, %add3A_537 : vector<16xi32>
    %jit3A_542 = arith.constant 1 : i32
    %jit3A_543 = arith.constant 0 : i32
    %broadcast_in_dim3A_544 = vector.broadcast %jit3A_542 : i32 to vector<16xi32>
    %broadcast_in_dim3A_545 = vector.broadcast %jit3A_543 : i32 to vector<16xi32>
    %select_n3A_546 = arith.select %lt3A_541, %broadcast_in_dim3A_544, %broadcast_in_dim3A_545 : vector<16xi1>, vector<16xi32>
    %add3A_547 = arith.addi %add3A_528, %select_n3A_546 : vector<16xi32>
    %gt3A_548 = arith.constant 10 : i32
    %gt3A_549 = vector.broadcast %gt3A_548 : i32 to vector<16xi32>
    %gt3A_550 = arith.cmpi sgt, %iota3A, %gt3A_549 : vector<16xi32>
    %jit3A_551 = arith.constant 1 : i32
    %jit3A_552 = arith.constant 0 : i32
    %broadcast_in_dim3A_553 = vector.broadcast %jit3A_551 : i32 to vector<16xi32>
    %broadcast_in_dim3A_554 = vector.broadcast %jit3A_552 : i32 to vector<16xi32>
    %select_n3A_555 = arith.select %gt3A_550, %broadcast_in_dim3A_553, %broadcast_in_dim3A_554 : vector<16xi1>, vector<16xi32>
    %add3A_556 = arith.addi %xor3A_35, %select_n3A_555 : vector<16xi32>
    %slice3A_557 = vector.extract_strided_slice %xor3A_35 {offsets = [10], sizes = [1], strides = [1]} : vector<16xi32> to vector<1xi32>
    %squeeze3A_558 = vector.extract %slice3A_557[0] : i32 from vector<1xi32>
    %lt3A_559 = vector.broadcast %squeeze3A_558 : i32 to vector<16xi32>
    %lt3A_560 = arith.cmpi slt, %lt3A_559, %add3A_556 : vector<16xi32>
    %jit3A_561 = arith.constant 1 : i32
    %jit3A_562 = arith.constant 0 : i32
    %broadcast_in_dim3A_563 = vector.broadcast %jit3A_561 : i32 to vector<16xi32>
    %broadcast_in_dim3A_564 = vector.broadcast %jit3A_562 : i32 to vector<16xi32>
    %select_n3A_565 = arith.select %lt3A_560, %broadcast_in_dim3A_563, %broadcast_in_dim3A_564 : vector<16xi1>, vector<16xi32>
    %add3A_566 = arith.addi %add3A_547, %select_n3A_565 : vector<16xi32>
    %gt3A_567 = arith.constant 11 : i32
    %gt3A_568 = vector.broadcast %gt3A_567 : i32 to vector<16xi32>
    %gt3A_569 = arith.cmpi sgt, %iota3A, %gt3A_568 : vector<16xi32>
    %jit3A_570 = arith.constant 1 : i32
    %jit3A_571 = arith.constant 0 : i32
    %broadcast_in_dim3A_572 = vector.broadcast %jit3A_570 : i32 to vector<16xi32>
    %broadcast_in_dim3A_573 = vector.broadcast %jit3A_571 : i32 to vector<16xi32>
    %select_n3A_574 = arith.select %gt3A_569, %broadcast_in_dim3A_572, %broadcast_in_dim3A_573 : vector<16xi1>, vector<16xi32>
    %add3A_575 = arith.addi %xor3A_35, %select_n3A_574 : vector<16xi32>
    %slice3A_576 = vector.extract_strided_slice %xor3A_35 {offsets = [11], sizes = [1], strides = [1]} : vector<16xi32> to vector<1xi32>
    %squeeze3A_577 = vector.extract %slice3A_576[0] : i32 from vector<1xi32>
    %lt3A_578 = vector.broadcast %squeeze3A_577 : i32 to vector<16xi32>
    %lt3A_579 = arith.cmpi slt, %lt3A_578, %add3A_575 : vector<16xi32>
    %jit3A_580 = arith.constant 1 : i32
    %jit3A_581 = arith.constant 0 : i32
    %broadcast_in_dim3A_582 = vector.broadcast %jit3A_580 : i32 to vector<16xi32>
    %broadcast_in_dim3A_583 = vector.broadcast %jit3A_581 : i32 to vector<16xi32>
    %select_n3A_584 = arith.select %lt3A_579, %broadcast_in_dim3A_582, %broadcast_in_dim3A_583 : vector<16xi1>, vector<16xi32>
    %add3A_585 = arith.addi %add3A_566, %select_n3A_584 : vector<16xi32>
    %gt3A_586 = arith.constant 12 : i32
    %gt3A_587 = vector.broadcast %gt3A_586 : i32 to vector<16xi32>
    %gt3A_588 = arith.cmpi sgt, %iota3A, %gt3A_587 : vector<16xi32>
    %jit3A_589 = arith.constant 1 : i32
    %jit3A_590 = arith.constant 0 : i32
    %broadcast_in_dim3A_591 = vector.broadcast %jit3A_589 : i32 to vector<16xi32>
    %broadcast_in_dim3A_592 = vector.broadcast %jit3A_590 : i32 to vector<16xi32>
    %select_n3A_593 = arith.select %gt3A_588, %broadcast_in_dim3A_591, %broadcast_in_dim3A_592 : vector<16xi1>, vector<16xi32>
    %add3A_594 = arith.addi %xor3A_35, %select_n3A_593 : vector<16xi32>
    %slice3A_595 = vector.extract_strided_slice %xor3A_35 {offsets = [12], sizes = [1], strides = [1]} : vector<16xi32> to vector<1xi32>
    %squeeze3A_596 = vector.extract %slice3A_595[0] : i32 from vector<1xi32>
    %lt3A_597 = vector.broadcast %squeeze3A_596 : i32 to vector<16xi32>
    %lt3A_598 = arith.cmpi slt, %lt3A_597, %add3A_594 : vector<16xi32>
    %jit3A_599 = arith.constant 1 : i32
    %jit3A_600 = arith.constant 0 : i32
    %broadcast_in_dim3A_601 = vector.broadcast %jit3A_599 : i32 to vector<16xi32>
    %broadcast_in_dim3A_602 = vector.broadcast %jit3A_600 : i32 to vector<16xi32>
    %select_n3A_603 = arith.select %lt3A_598, %broadcast_in_dim3A_601, %broadcast_in_dim3A_602 : vector<16xi1>, vector<16xi32>
    %add3A_604 = arith.addi %add3A_585, %select_n3A_603 : vector<16xi32>
    %gt3A_605 = arith.constant 13 : i32
    %gt3A_606 = vector.broadcast %gt3A_605 : i32 to vector<16xi32>
    %gt3A_607 = arith.cmpi sgt, %iota3A, %gt3A_606 : vector<16xi32>
    %jit3A_608 = arith.constant 1 : i32
    %jit3A_609 = arith.constant 0 : i32
    %broadcast_in_dim3A_610 = vector.broadcast %jit3A_608 : i32 to vector<16xi32>
    %broadcast_in_dim3A_611 = vector.broadcast %jit3A_609 : i32 to vector<16xi32>
    %select_n3A_612 = arith.select %gt3A_607, %broadcast_in_dim3A_610, %broadcast_in_dim3A_611 : vector<16xi1>, vector<16xi32>
    %add3A_613 = arith.addi %xor3A_35, %select_n3A_612 : vector<16xi32>
    %slice3A_614 = vector.extract_strided_slice %xor3A_35 {offsets = [13], sizes = [1], strides = [1]} : vector<16xi32> to vector<1xi32>
    %squeeze3A_615 = vector.extract %slice3A_614[0] : i32 from vector<1xi32>
    %lt3A_616 = vector.broadcast %squeeze3A_615 : i32 to vector<16xi32>
    %lt3A_617 = arith.cmpi slt, %lt3A_616, %add3A_613 : vector<16xi32>
    %jit3A_618 = arith.constant 1 : i32
    %jit3A_619 = arith.constant 0 : i32
    %broadcast_in_dim3A_620 = vector.broadcast %jit3A_618 : i32 to vector<16xi32>
    %broadcast_in_dim3A_621 = vector.broadcast %jit3A_619 : i32 to vector<16xi32>
    %select_n3A_622 = arith.select %lt3A_617, %broadcast_in_dim3A_620, %broadcast_in_dim3A_621 : vector<16xi1>, vector<16xi32>
    %add3A_623 = arith.addi %add3A_604, %select_n3A_622 : vector<16xi32>
    %gt3A_624 = arith.constant 14 : i32
    %gt3A_625 = vector.broadcast %gt3A_624 : i32 to vector<16xi32>
    %gt3A_626 = arith.cmpi sgt, %iota3A, %gt3A_625 : vector<16xi32>
    %jit3A_627 = arith.constant 1 : i32
    %jit3A_628 = arith.constant 0 : i32
    %broadcast_in_dim3A_629 = vector.broadcast %jit3A_627 : i32 to vector<16xi32>
    %broadcast_in_dim3A_630 = vector.broadcast %jit3A_628 : i32 to vector<16xi32>
    %select_n3A_631 = arith.select %gt3A_626, %broadcast_in_dim3A_629, %broadcast_in_dim3A_630 : vector<16xi1>, vector<16xi32>
    %add3A_632 = arith.addi %xor3A_35, %select_n3A_631 : vector<16xi32>
    %slice3A_633 = vector.extract_strided_slice %xor3A_35 {offsets = [14], sizes = [1], strides = [1]} : vector<16xi32> to vector<1xi32>
    %squeeze3A_634 = vector.extract %slice3A_633[0] : i32 from vector<1xi32>
    %lt3A_635 = vector.broadcast %squeeze3A_634 : i32 to vector<16xi32>
    %lt3A_636 = arith.cmpi slt, %lt3A_635, %add3A_632 : vector<16xi32>
    %jit3A_637 = arith.constant 1 : i32
    %jit3A_638 = arith.constant 0 : i32
    %broadcast_in_dim3A_639 = vector.broadcast %jit3A_637 : i32 to vector<16xi32>
    %broadcast_in_dim3A_640 = vector.broadcast %jit3A_638 : i32 to vector<16xi32>
    %select_n3A_641 = arith.select %lt3A_636, %broadcast_in_dim3A_639, %broadcast_in_dim3A_640 : vector<16xi1>, vector<16xi32>
    %add3A_642 = arith.addi %add3A_623, %select_n3A_641 : vector<16xi32>
    %gt3A_643 = arith.constant 15 : i32
    %gt3A_644 = vector.broadcast %gt3A_643 : i32 to vector<16xi32>
    %gt3A_645 = arith.cmpi sgt, %iota3A, %gt3A_644 : vector<16xi32>
    %jit3A_646 = arith.constant 1 : i32
    %jit3A_647 = arith.constant 0 : i32
    %broadcast_in_dim3A_648 = vector.broadcast %jit3A_646 : i32 to vector<16xi32>
    %broadcast_in_dim3A_649 = vector.broadcast %jit3A_647 : i32 to vector<16xi32>
    %select_n3A_650 = arith.select %gt3A_645, %broadcast_in_dim3A_648, %broadcast_in_dim3A_649 : vector<16xi1>, vector<16xi32>
    %add3A_651 = arith.addi %xor3A_35, %select_n3A_650 : vector<16xi32>
    %slice3A_652 = vector.extract_strided_slice %xor3A_35 {offsets = [15], sizes = [1], strides = [1]} : vector<16xi32> to vector<1xi32>
    %squeeze3A_653 = vector.extract %slice3A_652[0] : i32 from vector<1xi32>
    %lt3A_654 = vector.broadcast %squeeze3A_653 : i32 to vector<16xi32>
    %lt3A_655 = arith.cmpi slt, %lt3A_654, %add3A_651 : vector<16xi32>
    %jit3A_656 = arith.constant 1 : i32
    %jit3A_657 = arith.constant 0 : i32
    %broadcast_in_dim3A_658 = vector.broadcast %jit3A_656 : i32 to vector<16xi32>
    %broadcast_in_dim3A_659 = vector.broadcast %jit3A_657 : i32 to vector<16xi32>
    %select_n3A_660 = arith.select %lt3A_655, %broadcast_in_dim3A_658, %broadcast_in_dim3A_659 : vector<16xi1>, vector<16xi32>
    %add3A_661 = arith.addi %add3A_642, %select_n3A_660 : vector<16xi32>
    %gt3A_662 = arith.constant 0 : i32
    %gt3A_663 = vector.broadcast %gt3A_662 : i32 to vector<16xi32>
    %gt3A_664 = arith.cmpi sgt, %iota3A, %gt3A_663 : vector<16xi32>
    %jit3A_665 = arith.constant 1 : i32
    %jit3A_666 = arith.constant 0 : i32
    %broadcast_in_dim3A_667 = vector.broadcast %jit3A_665 : i32 to vector<16xi32>
    %broadcast_in_dim3A_668 = vector.broadcast %jit3A_666 : i32 to vector<16xi32>
    %select_n3A_669 = arith.select %gt3A_664, %broadcast_in_dim3A_667, %broadcast_in_dim3A_668 : vector<16xi1>, vector<16xi32>
    %add3A_670 = arith.addi %xor3A_50, %select_n3A_669 : vector<16xi32>
    %slice3A_671 = vector.extract_strided_slice %xor3A_50 {offsets = [0], sizes = [1], strides = [1]} : vector<16xi32> to vector<1xi32>
    %squeeze3A_672 = vector.extract %slice3A_671[0] : i32 from vector<1xi32>
    %lt3A_673 = vector.broadcast %squeeze3A_672 : i32 to vector<16xi32>
    %lt3A_674 = arith.cmpi slt, %lt3A_673, %add3A_670 : vector<16xi32>
    %jit3A_675 = arith.constant 1 : i32
    %jit3A_676 = arith.constant 0 : i32
    %broadcast_in_dim3A_677 = vector.broadcast %jit3A_675 : i32 to vector<16xi32>
    %broadcast_in_dim3A_678 = vector.broadcast %jit3A_676 : i32 to vector<16xi32>
    %select_n3A_679 = arith.select %lt3A_674, %broadcast_in_dim3A_677, %broadcast_in_dim3A_678 : vector<16xi1>, vector<16xi32>
    %add3A_680 = arith.addi %scan3A_56#2, %select_n3A_679 : vector<16xi32>
    %gt3A_681 = arith.constant 1 : i32
    %gt3A_682 = vector.broadcast %gt3A_681 : i32 to vector<16xi32>
    %gt3A_683 = arith.cmpi sgt, %iota3A, %gt3A_682 : vector<16xi32>
    %jit3A_684 = arith.constant 1 : i32
    %jit3A_685 = arith.constant 0 : i32
    %broadcast_in_dim3A_686 = vector.broadcast %jit3A_684 : i32 to vector<16xi32>
    %broadcast_in_dim3A_687 = vector.broadcast %jit3A_685 : i32 to vector<16xi32>
    %select_n3A_688 = arith.select %gt3A_683, %broadcast_in_dim3A_686, %broadcast_in_dim3A_687 : vector<16xi1>, vector<16xi32>
    %add3A_689 = arith.addi %xor3A_50, %select_n3A_688 : vector<16xi32>
    %slice3A_690 = vector.extract_strided_slice %xor3A_50 {offsets = [1], sizes = [1], strides = [1]} : vector<16xi32> to vector<1xi32>
    %squeeze3A_691 = vector.extract %slice3A_690[0] : i32 from vector<1xi32>
    %lt3A_692 = vector.broadcast %squeeze3A_691 : i32 to vector<16xi32>
    %lt3A_693 = arith.cmpi slt, %lt3A_692, %add3A_689 : vector<16xi32>
    %jit3A_694 = arith.constant 1 : i32
    %jit3A_695 = arith.constant 0 : i32
    %broadcast_in_dim3A_696 = vector.broadcast %jit3A_694 : i32 to vector<16xi32>
    %broadcast_in_dim3A_697 = vector.broadcast %jit3A_695 : i32 to vector<16xi32>
    %select_n3A_698 = arith.select %lt3A_693, %broadcast_in_dim3A_696, %broadcast_in_dim3A_697 : vector<16xi1>, vector<16xi32>
    %add3A_699 = arith.addi %add3A_680, %select_n3A_698 : vector<16xi32>
    %gt3A_700 = arith.constant 2 : i32
    %gt3A_701 = vector.broadcast %gt3A_700 : i32 to vector<16xi32>
    %gt3A_702 = arith.cmpi sgt, %iota3A, %gt3A_701 : vector<16xi32>
    %jit3A_703 = arith.constant 1 : i32
    %jit3A_704 = arith.constant 0 : i32
    %broadcast_in_dim3A_705 = vector.broadcast %jit3A_703 : i32 to vector<16xi32>
    %broadcast_in_dim3A_706 = vector.broadcast %jit3A_704 : i32 to vector<16xi32>
    %select_n3A_707 = arith.select %gt3A_702, %broadcast_in_dim3A_705, %broadcast_in_dim3A_706 : vector<16xi1>, vector<16xi32>
    %add3A_708 = arith.addi %xor3A_50, %select_n3A_707 : vector<16xi32>
    %slice3A_709 = vector.extract_strided_slice %xor3A_50 {offsets = [2], sizes = [1], strides = [1]} : vector<16xi32> to vector<1xi32>
    %squeeze3A_710 = vector.extract %slice3A_709[0] : i32 from vector<1xi32>
    %lt3A_711 = vector.broadcast %squeeze3A_710 : i32 to vector<16xi32>
    %lt3A_712 = arith.cmpi slt, %lt3A_711, %add3A_708 : vector<16xi32>
    %jit3A_713 = arith.constant 1 : i32
    %jit3A_714 = arith.constant 0 : i32
    %broadcast_in_dim3A_715 = vector.broadcast %jit3A_713 : i32 to vector<16xi32>
    %broadcast_in_dim3A_716 = vector.broadcast %jit3A_714 : i32 to vector<16xi32>
    %select_n3A_717 = arith.select %lt3A_712, %broadcast_in_dim3A_715, %broadcast_in_dim3A_716 : vector<16xi1>, vector<16xi32>
    %add3A_718 = arith.addi %add3A_699, %select_n3A_717 : vector<16xi32>
    %gt3A_719 = arith.constant 3 : i32
    %gt3A_720 = vector.broadcast %gt3A_719 : i32 to vector<16xi32>
    %gt3A_721 = arith.cmpi sgt, %iota3A, %gt3A_720 : vector<16xi32>
    %jit3A_722 = arith.constant 1 : i32
    %jit3A_723 = arith.constant 0 : i32
    %broadcast_in_dim3A_724 = vector.broadcast %jit3A_722 : i32 to vector<16xi32>
    %broadcast_in_dim3A_725 = vector.broadcast %jit3A_723 : i32 to vector<16xi32>
    %select_n3A_726 = arith.select %gt3A_721, %broadcast_in_dim3A_724, %broadcast_in_dim3A_725 : vector<16xi1>, vector<16xi32>
    %add3A_727 = arith.addi %xor3A_50, %select_n3A_726 : vector<16xi32>
    %slice3A_728 = vector.extract_strided_slice %xor3A_50 {offsets = [3], sizes = [1], strides = [1]} : vector<16xi32> to vector<1xi32>
    %squeeze3A_729 = vector.extract %slice3A_728[0] : i32 from vector<1xi32>
    %lt3A_730 = vector.broadcast %squeeze3A_729 : i32 to vector<16xi32>
    %lt3A_731 = arith.cmpi slt, %lt3A_730, %add3A_727 : vector<16xi32>
    %jit3A_732 = arith.constant 1 : i32
    %jit3A_733 = arith.constant 0 : i32
    %broadcast_in_dim3A_734 = vector.broadcast %jit3A_732 : i32 to vector<16xi32>
    %broadcast_in_dim3A_735 = vector.broadcast %jit3A_733 : i32 to vector<16xi32>
    %select_n3A_736 = arith.select %lt3A_731, %broadcast_in_dim3A_734, %broadcast_in_dim3A_735 : vector<16xi1>, vector<16xi32>
    %add3A_737 = arith.addi %add3A_718, %select_n3A_736 : vector<16xi32>
    %gt3A_738 = arith.constant 4 : i32
    %gt3A_739 = vector.broadcast %gt3A_738 : i32 to vector<16xi32>
    %gt3A_740 = arith.cmpi sgt, %iota3A, %gt3A_739 : vector<16xi32>
    %jit3A_741 = arith.constant 1 : i32
    %jit3A_742 = arith.constant 0 : i32
    %broadcast_in_dim3A_743 = vector.broadcast %jit3A_741 : i32 to vector<16xi32>
    %broadcast_in_dim3A_744 = vector.broadcast %jit3A_742 : i32 to vector<16xi32>
    %select_n3A_745 = arith.select %gt3A_740, %broadcast_in_dim3A_743, %broadcast_in_dim3A_744 : vector<16xi1>, vector<16xi32>
    %add3A_746 = arith.addi %xor3A_50, %select_n3A_745 : vector<16xi32>
    %slice3A_747 = vector.extract_strided_slice %xor3A_50 {offsets = [4], sizes = [1], strides = [1]} : vector<16xi32> to vector<1xi32>
    %squeeze3A_748 = vector.extract %slice3A_747[0] : i32 from vector<1xi32>
    %lt3A_749 = vector.broadcast %squeeze3A_748 : i32 to vector<16xi32>
    %lt3A_750 = arith.cmpi slt, %lt3A_749, %add3A_746 : vector<16xi32>
    %jit3A_751 = arith.constant 1 : i32
    %jit3A_752 = arith.constant 0 : i32
    %broadcast_in_dim3A_753 = vector.broadcast %jit3A_751 : i32 to vector<16xi32>
    %broadcast_in_dim3A_754 = vector.broadcast %jit3A_752 : i32 to vector<16xi32>
    %select_n3A_755 = arith.select %lt3A_750, %broadcast_in_dim3A_753, %broadcast_in_dim3A_754 : vector<16xi1>, vector<16xi32>
    %add3A_756 = arith.addi %add3A_737, %select_n3A_755 : vector<16xi32>
    %gt3A_757 = arith.constant 5 : i32
    %gt3A_758 = vector.broadcast %gt3A_757 : i32 to vector<16xi32>
    %gt3A_759 = arith.cmpi sgt, %iota3A, %gt3A_758 : vector<16xi32>
    %jit3A_760 = arith.constant 1 : i32
    %jit3A_761 = arith.constant 0 : i32
    %broadcast_in_dim3A_762 = vector.broadcast %jit3A_760 : i32 to vector<16xi32>
    %broadcast_in_dim3A_763 = vector.broadcast %jit3A_761 : i32 to vector<16xi32>
    %select_n3A_764 = arith.select %gt3A_759, %broadcast_in_dim3A_762, %broadcast_in_dim3A_763 : vector<16xi1>, vector<16xi32>
    %add3A_765 = arith.addi %xor3A_50, %select_n3A_764 : vector<16xi32>
    %slice3A_766 = vector.extract_strided_slice %xor3A_50 {offsets = [5], sizes = [1], strides = [1]} : vector<16xi32> to vector<1xi32>
    %squeeze3A_767 = vector.extract %slice3A_766[0] : i32 from vector<1xi32>
    %lt3A_768 = vector.broadcast %squeeze3A_767 : i32 to vector<16xi32>
    %lt3A_769 = arith.cmpi slt, %lt3A_768, %add3A_765 : vector<16xi32>
    %jit3A_770 = arith.constant 1 : i32
    %jit3A_771 = arith.constant 0 : i32
    %broadcast_in_dim3A_772 = vector.broadcast %jit3A_770 : i32 to vector<16xi32>
    %broadcast_in_dim3A_773 = vector.broadcast %jit3A_771 : i32 to vector<16xi32>
    %select_n3A_774 = arith.select %lt3A_769, %broadcast_in_dim3A_772, %broadcast_in_dim3A_773 : vector<16xi1>, vector<16xi32>
    %add3A_775 = arith.addi %add3A_756, %select_n3A_774 : vector<16xi32>
    %gt3A_776 = arith.constant 6 : i32
    %gt3A_777 = vector.broadcast %gt3A_776 : i32 to vector<16xi32>
    %gt3A_778 = arith.cmpi sgt, %iota3A, %gt3A_777 : vector<16xi32>
    %jit3A_779 = arith.constant 1 : i32
    %jit3A_780 = arith.constant 0 : i32
    %broadcast_in_dim3A_781 = vector.broadcast %jit3A_779 : i32 to vector<16xi32>
    %broadcast_in_dim3A_782 = vector.broadcast %jit3A_780 : i32 to vector<16xi32>
    %select_n3A_783 = arith.select %gt3A_778, %broadcast_in_dim3A_781, %broadcast_in_dim3A_782 : vector<16xi1>, vector<16xi32>
    %add3A_784 = arith.addi %xor3A_50, %select_n3A_783 : vector<16xi32>
    %slice3A_785 = vector.extract_strided_slice %xor3A_50 {offsets = [6], sizes = [1], strides = [1]} : vector<16xi32> to vector<1xi32>
    %squeeze3A_786 = vector.extract %slice3A_785[0] : i32 from vector<1xi32>
    %lt3A_787 = vector.broadcast %squeeze3A_786 : i32 to vector<16xi32>
    %lt3A_788 = arith.cmpi slt, %lt3A_787, %add3A_784 : vector<16xi32>
    %jit3A_789 = arith.constant 1 : i32
    %jit3A_790 = arith.constant 0 : i32
    %broadcast_in_dim3A_791 = vector.broadcast %jit3A_789 : i32 to vector<16xi32>
    %broadcast_in_dim3A_792 = vector.broadcast %jit3A_790 : i32 to vector<16xi32>
    %select_n3A_793 = arith.select %lt3A_788, %broadcast_in_dim3A_791, %broadcast_in_dim3A_792 : vector<16xi1>, vector<16xi32>
    %add3A_794 = arith.addi %add3A_775, %select_n3A_793 : vector<16xi32>
    %gt3A_795 = arith.constant 7 : i32
    %gt3A_796 = vector.broadcast %gt3A_795 : i32 to vector<16xi32>
    %gt3A_797 = arith.cmpi sgt, %iota3A, %gt3A_796 : vector<16xi32>
    %jit3A_798 = arith.constant 1 : i32
    %jit3A_799 = arith.constant 0 : i32
    %broadcast_in_dim3A_800 = vector.broadcast %jit3A_798 : i32 to vector<16xi32>
    %broadcast_in_dim3A_801 = vector.broadcast %jit3A_799 : i32 to vector<16xi32>
    %select_n3A_802 = arith.select %gt3A_797, %broadcast_in_dim3A_800, %broadcast_in_dim3A_801 : vector<16xi1>, vector<16xi32>
    %add3A_803 = arith.addi %xor3A_50, %select_n3A_802 : vector<16xi32>
    %slice3A_804 = vector.extract_strided_slice %xor3A_50 {offsets = [7], sizes = [1], strides = [1]} : vector<16xi32> to vector<1xi32>
    %squeeze3A_805 = vector.extract %slice3A_804[0] : i32 from vector<1xi32>
    %lt3A_806 = vector.broadcast %squeeze3A_805 : i32 to vector<16xi32>
    %lt3A_807 = arith.cmpi slt, %lt3A_806, %add3A_803 : vector<16xi32>
    %jit3A_808 = arith.constant 1 : i32
    %jit3A_809 = arith.constant 0 : i32
    %broadcast_in_dim3A_810 = vector.broadcast %jit3A_808 : i32 to vector<16xi32>
    %broadcast_in_dim3A_811 = vector.broadcast %jit3A_809 : i32 to vector<16xi32>
    %select_n3A_812 = arith.select %lt3A_807, %broadcast_in_dim3A_810, %broadcast_in_dim3A_811 : vector<16xi1>, vector<16xi32>
    %add3A_813 = arith.addi %add3A_794, %select_n3A_812 : vector<16xi32>
    %gt3A_814 = arith.constant 8 : i32
    %gt3A_815 = vector.broadcast %gt3A_814 : i32 to vector<16xi32>
    %gt3A_816 = arith.cmpi sgt, %iota3A, %gt3A_815 : vector<16xi32>
    %jit3A_817 = arith.constant 1 : i32
    %jit3A_818 = arith.constant 0 : i32
    %broadcast_in_dim3A_819 = vector.broadcast %jit3A_817 : i32 to vector<16xi32>
    %broadcast_in_dim3A_820 = vector.broadcast %jit3A_818 : i32 to vector<16xi32>
    %select_n3A_821 = arith.select %gt3A_816, %broadcast_in_dim3A_819, %broadcast_in_dim3A_820 : vector<16xi1>, vector<16xi32>
    %add3A_822 = arith.addi %xor3A_50, %select_n3A_821 : vector<16xi32>
    %slice3A_823 = vector.extract_strided_slice %xor3A_50 {offsets = [8], sizes = [1], strides = [1]} : vector<16xi32> to vector<1xi32>
    %squeeze3A_824 = vector.extract %slice3A_823[0] : i32 from vector<1xi32>
    %lt3A_825 = vector.broadcast %squeeze3A_824 : i32 to vector<16xi32>
    %lt3A_826 = arith.cmpi slt, %lt3A_825, %add3A_822 : vector<16xi32>
    %jit3A_827 = arith.constant 1 : i32
    %jit3A_828 = arith.constant 0 : i32
    %broadcast_in_dim3A_829 = vector.broadcast %jit3A_827 : i32 to vector<16xi32>
    %broadcast_in_dim3A_830 = vector.broadcast %jit3A_828 : i32 to vector<16xi32>
    %select_n3A_831 = arith.select %lt3A_826, %broadcast_in_dim3A_829, %broadcast_in_dim3A_830 : vector<16xi1>, vector<16xi32>
    %add3A_832 = arith.addi %add3A_813, %select_n3A_831 : vector<16xi32>
    %gt3A_833 = arith.constant 9 : i32
    %gt3A_834 = vector.broadcast %gt3A_833 : i32 to vector<16xi32>
    %gt3A_835 = arith.cmpi sgt, %iota3A, %gt3A_834 : vector<16xi32>
    %jit3A_836 = arith.constant 1 : i32
    %jit3A_837 = arith.constant 0 : i32
    %broadcast_in_dim3A_838 = vector.broadcast %jit3A_836 : i32 to vector<16xi32>
    %broadcast_in_dim3A_839 = vector.broadcast %jit3A_837 : i32 to vector<16xi32>
    %select_n3A_840 = arith.select %gt3A_835, %broadcast_in_dim3A_838, %broadcast_in_dim3A_839 : vector<16xi1>, vector<16xi32>
    %add3A_841 = arith.addi %xor3A_50, %select_n3A_840 : vector<16xi32>
    %slice3A_842 = vector.extract_strided_slice %xor3A_50 {offsets = [9], sizes = [1], strides = [1]} : vector<16xi32> to vector<1xi32>
    %squeeze3A_843 = vector.extract %slice3A_842[0] : i32 from vector<1xi32>
    %lt3A_844 = vector.broadcast %squeeze3A_843 : i32 to vector<16xi32>
    %lt3A_845 = arith.cmpi slt, %lt3A_844, %add3A_841 : vector<16xi32>
    %jit3A_846 = arith.constant 1 : i32
    %jit3A_847 = arith.constant 0 : i32
    %broadcast_in_dim3A_848 = vector.broadcast %jit3A_846 : i32 to vector<16xi32>
    %broadcast_in_dim3A_849 = vector.broadcast %jit3A_847 : i32 to vector<16xi32>
    %select_n3A_850 = arith.select %lt3A_845, %broadcast_in_dim3A_848, %broadcast_in_dim3A_849 : vector<16xi1>, vector<16xi32>
    %add3A_851 = arith.addi %add3A_832, %select_n3A_850 : vector<16xi32>
    %gt3A_852 = arith.constant 10 : i32
    %gt3A_853 = vector.broadcast %gt3A_852 : i32 to vector<16xi32>
    %gt3A_854 = arith.cmpi sgt, %iota3A, %gt3A_853 : vector<16xi32>
    %jit3A_855 = arith.constant 1 : i32
    %jit3A_856 = arith.constant 0 : i32
    %broadcast_in_dim3A_857 = vector.broadcast %jit3A_855 : i32 to vector<16xi32>
    %broadcast_in_dim3A_858 = vector.broadcast %jit3A_856 : i32 to vector<16xi32>
    %select_n3A_859 = arith.select %gt3A_854, %broadcast_in_dim3A_857, %broadcast_in_dim3A_858 : vector<16xi1>, vector<16xi32>
    %add3A_860 = arith.addi %xor3A_50, %select_n3A_859 : vector<16xi32>
    %slice3A_861 = vector.extract_strided_slice %xor3A_50 {offsets = [10], sizes = [1], strides = [1]} : vector<16xi32> to vector<1xi32>
    %squeeze3A_862 = vector.extract %slice3A_861[0] : i32 from vector<1xi32>
    %lt3A_863 = vector.broadcast %squeeze3A_862 : i32 to vector<16xi32>
    %lt3A_864 = arith.cmpi slt, %lt3A_863, %add3A_860 : vector<16xi32>
    %jit3A_865 = arith.constant 1 : i32
    %jit3A_866 = arith.constant 0 : i32
    %broadcast_in_dim3A_867 = vector.broadcast %jit3A_865 : i32 to vector<16xi32>
    %broadcast_in_dim3A_868 = vector.broadcast %jit3A_866 : i32 to vector<16xi32>
    %select_n3A_869 = arith.select %lt3A_864, %broadcast_in_dim3A_867, %broadcast_in_dim3A_868 : vector<16xi1>, vector<16xi32>
    %add3A_870 = arith.addi %add3A_851, %select_n3A_869 : vector<16xi32>
    %gt3A_871 = arith.constant 11 : i32
    %gt3A_872 = vector.broadcast %gt3A_871 : i32 to vector<16xi32>
    %gt3A_873 = arith.cmpi sgt, %iota3A, %gt3A_872 : vector<16xi32>
    %jit3A_874 = arith.constant 1 : i32
    %jit3A_875 = arith.constant 0 : i32
    %broadcast_in_dim3A_876 = vector.broadcast %jit3A_874 : i32 to vector<16xi32>
    %broadcast_in_dim3A_877 = vector.broadcast %jit3A_875 : i32 to vector<16xi32>
    %select_n3A_878 = arith.select %gt3A_873, %broadcast_in_dim3A_876, %broadcast_in_dim3A_877 : vector<16xi1>, vector<16xi32>
    %add3A_879 = arith.addi %xor3A_50, %select_n3A_878 : vector<16xi32>
    %slice3A_880 = vector.extract_strided_slice %xor3A_50 {offsets = [11], sizes = [1], strides = [1]} : vector<16xi32> to vector<1xi32>
    %squeeze3A_881 = vector.extract %slice3A_880[0] : i32 from vector<1xi32>
    %lt3A_882 = vector.broadcast %squeeze3A_881 : i32 to vector<16xi32>
    %lt3A_883 = arith.cmpi slt, %lt3A_882, %add3A_879 : vector<16xi32>
    %jit3A_884 = arith.constant 1 : i32
    %jit3A_885 = arith.constant 0 : i32
    %broadcast_in_dim3A_886 = vector.broadcast %jit3A_884 : i32 to vector<16xi32>
    %broadcast_in_dim3A_887 = vector.broadcast %jit3A_885 : i32 to vector<16xi32>
    %select_n3A_888 = arith.select %lt3A_883, %broadcast_in_dim3A_886, %broadcast_in_dim3A_887 : vector<16xi1>, vector<16xi32>
    %add3A_889 = arith.addi %add3A_870, %select_n3A_888 : vector<16xi32>
    %gt3A_890 = arith.constant 12 : i32
    %gt3A_891 = vector.broadcast %gt3A_890 : i32 to vector<16xi32>
    %gt3A_892 = arith.cmpi sgt, %iota3A, %gt3A_891 : vector<16xi32>
    %jit3A_893 = arith.constant 1 : i32
    %jit3A_894 = arith.constant 0 : i32
    %broadcast_in_dim3A_895 = vector.broadcast %jit3A_893 : i32 to vector<16xi32>
    %broadcast_in_dim3A_896 = vector.broadcast %jit3A_894 : i32 to vector<16xi32>
    %select_n3A_897 = arith.select %gt3A_892, %broadcast_in_dim3A_895, %broadcast_in_dim3A_896 : vector<16xi1>, vector<16xi32>
    %add3A_898 = arith.addi %xor3A_50, %select_n3A_897 : vector<16xi32>
    %slice3A_899 = vector.extract_strided_slice %xor3A_50 {offsets = [12], sizes = [1], strides = [1]} : vector<16xi32> to vector<1xi32>
    %squeeze3A_900 = vector.extract %slice3A_899[0] : i32 from vector<1xi32>
    %lt3A_901 = vector.broadcast %squeeze3A_900 : i32 to vector<16xi32>
    %lt3A_902 = arith.cmpi slt, %lt3A_901, %add3A_898 : vector<16xi32>
    %jit3A_903 = arith.constant 1 : i32
    %jit3A_904 = arith.constant 0 : i32
    %broadcast_in_dim3A_905 = vector.broadcast %jit3A_903 : i32 to vector<16xi32>
    %broadcast_in_dim3A_906 = vector.broadcast %jit3A_904 : i32 to vector<16xi32>
    %select_n3A_907 = arith.select %lt3A_902, %broadcast_in_dim3A_905, %broadcast_in_dim3A_906 : vector<16xi1>, vector<16xi32>
    %add3A_908 = arith.addi %add3A_889, %select_n3A_907 : vector<16xi32>
    %gt3A_909 = arith.constant 13 : i32
    %gt3A_910 = vector.broadcast %gt3A_909 : i32 to vector<16xi32>
    %gt3A_911 = arith.cmpi sgt, %iota3A, %gt3A_910 : vector<16xi32>
    %jit3A_912 = arith.constant 1 : i32
    %jit3A_913 = arith.constant 0 : i32
    %broadcast_in_dim3A_914 = vector.broadcast %jit3A_912 : i32 to vector<16xi32>
    %broadcast_in_dim3A_915 = vector.broadcast %jit3A_913 : i32 to vector<16xi32>
    %select_n3A_916 = arith.select %gt3A_911, %broadcast_in_dim3A_914, %broadcast_in_dim3A_915 : vector<16xi1>, vector<16xi32>
    %add3A_917 = arith.addi %xor3A_50, %select_n3A_916 : vector<16xi32>
    %slice3A_918 = vector.extract_strided_slice %xor3A_50 {offsets = [13], sizes = [1], strides = [1]} : vector<16xi32> to vector<1xi32>
    %squeeze3A_919 = vector.extract %slice3A_918[0] : i32 from vector<1xi32>
    %lt3A_920 = vector.broadcast %squeeze3A_919 : i32 to vector<16xi32>
    %lt3A_921 = arith.cmpi slt, %lt3A_920, %add3A_917 : vector<16xi32>
    %jit3A_922 = arith.constant 1 : i32
    %jit3A_923 = arith.constant 0 : i32
    %broadcast_in_dim3A_924 = vector.broadcast %jit3A_922 : i32 to vector<16xi32>
    %broadcast_in_dim3A_925 = vector.broadcast %jit3A_923 : i32 to vector<16xi32>
    %select_n3A_926 = arith.select %lt3A_921, %broadcast_in_dim3A_924, %broadcast_in_dim3A_925 : vector<16xi1>, vector<16xi32>
    %add3A_927 = arith.addi %add3A_908, %select_n3A_926 : vector<16xi32>
    %gt3A_928 = arith.constant 14 : i32
    %gt3A_929 = vector.broadcast %gt3A_928 : i32 to vector<16xi32>
    %gt3A_930 = arith.cmpi sgt, %iota3A, %gt3A_929 : vector<16xi32>
    %jit3A_931 = arith.constant 1 : i32
    %jit3A_932 = arith.constant 0 : i32
    %broadcast_in_dim3A_933 = vector.broadcast %jit3A_931 : i32 to vector<16xi32>
    %broadcast_in_dim3A_934 = vector.broadcast %jit3A_932 : i32 to vector<16xi32>
    %select_n3A_935 = arith.select %gt3A_930, %broadcast_in_dim3A_933, %broadcast_in_dim3A_934 : vector<16xi1>, vector<16xi32>
    %add3A_936 = arith.addi %xor3A_50, %select_n3A_935 : vector<16xi32>
    %slice3A_937 = vector.extract_strided_slice %xor3A_50 {offsets = [14], sizes = [1], strides = [1]} : vector<16xi32> to vector<1xi32>
    %squeeze3A_938 = vector.extract %slice3A_937[0] : i32 from vector<1xi32>
    %lt3A_939 = vector.broadcast %squeeze3A_938 : i32 to vector<16xi32>
    %lt3A_940 = arith.cmpi slt, %lt3A_939, %add3A_936 : vector<16xi32>
    %jit3A_941 = arith.constant 1 : i32
    %jit3A_942 = arith.constant 0 : i32
    %broadcast_in_dim3A_943 = vector.broadcast %jit3A_941 : i32 to vector<16xi32>
    %broadcast_in_dim3A_944 = vector.broadcast %jit3A_942 : i32 to vector<16xi32>
    %select_n3A_945 = arith.select %lt3A_940, %broadcast_in_dim3A_943, %broadcast_in_dim3A_944 : vector<16xi1>, vector<16xi32>
    %add3A_946 = arith.addi %add3A_927, %select_n3A_945 : vector<16xi32>
    %gt3A_947 = arith.constant 15 : i32
    %gt3A_948 = vector.broadcast %gt3A_947 : i32 to vector<16xi32>
    %gt3A_949 = arith.cmpi sgt, %iota3A, %gt3A_948 : vector<16xi32>
    %jit3A_950 = arith.constant 1 : i32
    %jit3A_951 = arith.constant 0 : i32
    %broadcast_in_dim3A_952 = vector.broadcast %jit3A_950 : i32 to vector<16xi32>
    %broadcast_in_dim3A_953 = vector.broadcast %jit3A_951 : i32 to vector<16xi32>
    %select_n3A_954 = arith.select %gt3A_949, %broadcast_in_dim3A_952, %broadcast_in_dim3A_953 : vector<16xi1>, vector<16xi32>
    %add3A_955 = arith.addi %xor3A_50, %select_n3A_954 : vector<16xi32>
    %slice3A_956 = vector.extract_strided_slice %xor3A_50 {offsets = [15], sizes = [1], strides = [1]} : vector<16xi32> to vector<1xi32>
    %squeeze3A_957 = vector.extract %slice3A_956[0] : i32 from vector<1xi32>
    %lt3A_958 = vector.broadcast %squeeze3A_957 : i32 to vector<16xi32>
    %lt3A_959 = arith.cmpi slt, %lt3A_958, %add3A_955 : vector<16xi32>
    %jit3A_960 = arith.constant 1 : i32
    %jit3A_961 = arith.constant 0 : i32
    %broadcast_in_dim3A_962 = vector.broadcast %jit3A_960 : i32 to vector<16xi32>
    %broadcast_in_dim3A_963 = vector.broadcast %jit3A_961 : i32 to vector<16xi32>
    %select_n3A_964 = arith.select %lt3A_959, %broadcast_in_dim3A_962, %broadcast_in_dim3A_963 : vector<16xi1>, vector<16xi32>
    %add3A_965 = arith.addi %add3A_946, %select_n3A_964 : vector<16xi32>
    tpu.wait_dma2 semaphore(%arg22 : memref<!tpu.dma_semaphore, #tpu.memory_space<semaphore_mem>>) src(%arg2 : memref<256xf32, #tpu.memory_space<hbm>>) dst(%arg8 : memref<256xf32, #tpu.memory_space<vmem>>)
    tpu.wait_dma2 semaphore(%arg23 : memref<!tpu.dma_semaphore, #tpu.memory_space<semaphore_mem>>) src(%arg4 : memref<1728xi32, #tpu.memory_space<hbm>>) dst(%arg9 : memref<1728xi32, #tpu.memory_space<vmem>>)
    %broadcast_in_dim3A_966 = arith.constant 0.000000e+00 : f32
    %broadcast_in_dim3A_967 = vector.broadcast %broadcast_in_dim3A_966 : f32 to vector<16xf32>
    %mul3A_968 = arith.constant 16 : i32
    %mul3A_969 = arith.muli %arg1, %mul3A_968 : i32
    %get3A_970 = arith.index_cast %mul3A_969 : i32 to index
    %get3A_971 = tpu.vector_load %arg9[%get3A_970] {strides = array<i32>} : memref<1728xi32, #tpu.memory_space<vmem>>, vector<16xi32>,
    %mul3A_972 = arith.constant 16 : i32
    %mul3A_973 = arith.muli %arg1, %mul3A_972 : i32
    %add3A_974 = arith.constant 576 : i32
    %add3A_975 = arith.addi %add3A_974, %mul3A_973 : i32
    %get3A_976 = arith.index_cast %add3A_975 : i32 to index
    %get3A_977 = tpu.vector_load %arg9[%get3A_976] {strides = array<i32>} : memref<1728xi32, #tpu.memory_space<vmem>>, vector<16xi32>,
    %mul3A_978 = arith.constant 16 : i32
    %mul3A_979 = arith.muli %arg1, %mul3A_978 : i32
    %add3A_980 = arith.constant 1152 : i32
    %add3A_981 = arith.addi %add3A_980, %mul3A_979 : i32
    %get3A_982 = arith.index_cast %add3A_981 : i32 to index
    %get3A_983 = tpu.vector_load %arg9[%get3A_982] {strides = array<i32>} : memref<1728xi32, #tpu.memory_space<vmem>>, vector<16xi32>,
    %ge3A_984 = arith.constant 0 : i32
    %ge3A_985 = vector.broadcast %ge3A_984 : i32 to vector<16xi32>
    %ge3A_986 = arith.cmpi sge, %get3A_977, %ge3A_985 : vector<16xi32>
    %jit3A_987 = arith.constant 0 : i32
    %broadcast_in_dim3A_988 = vector.broadcast %jit3A_987 : i32 to vector<16xi32>
    %select_n3A_989 = arith.select %ge3A_986, %get3A_977, %broadcast_in_dim3A_988 : vector<16xi1>, vector<16xi32>
    %gather3A = tpu.vector_load_idx %arg8[%get3A_971] : memref<256xf32, #tpu.memory_space<vmem>>[vector<16xi32>], vector<16xf32>,
    %gather3A_990 = tpu.vector_load_idx %arg8[%select_n3A_989] : memref<256xf32, #tpu.memory_space<vmem>>[vector<16xi32>], vector<16xf32>,
    %gather3A_991 = tpu.vector_load_idx %arg8[%get3A_983] : memref<256xf32, #tpu.memory_space<vmem>>[vector<16xi32>], vector<16xf32>,
    %ge3A_992 = arith.constant 1 : i32
    %ge3A_993 = vector.broadcast %ge3A_992 : i32 to vector<16xi32>
    %ge3A_994 = arith.cmpi sge, %add3A_357, %ge3A_993 : vector<16xi32>
    %sub3A_995 = arith.constant 1 : i32
    %sub3A_996 = vector.broadcast %sub3A_995 : i32 to vector<16xi32>
    %sub3A_997 = arith.subi %add3A_357, %sub3A_996 : vector<16xi32>
    %add3A_998 = arith.constant 576 : i32
    %add3A_999 = vector.broadcast %add3A_998 : i32 to vector<16xi32>
    %add3A_1000 = arith.addi %add3A_999, %iota3A : vector<16xi32>
    %select_n3A_1001 = arith.select %ge3A_994, %sub3A_997, %add3A_1000 : vector<16xi1>, vector<16xi32>
    %sub3A_1002 = arith.subf %gather3A_990, %gather3A : vector<16xf32>
    %sub3A_1003 = arith.subf %gather3A_991, %gather3A : vector<16xf32>
    %select_n3A_1004 = arith.select %ge3A_986, %sub3A_1002, %sub3A_1003 : vector<16xi1>, vector<16xf32>
    %sub3A_1005 = arith.subf %gather3A_991, %gather3A_990 : vector<16xf32>
    %max3A = arith.constant 0.000000e+00 : f32
    %max3A_1006 = vector.broadcast %max3A : f32 to vector<16xf32>
    %max3A_1007 = arith.maximumf %select_n3A_1004, %max3A_1006 : vector<16xf32>
    %neg3A = arith.constant 0.000000e+00 : f32
    %neg3A_1008 = vector.broadcast %neg3A : f32 to vector<16xf32>
    %neg3A_1009 = arith.subf %neg3A_1008, %select_n3A_1004 : vector<16xf32>
    %max3A_1010 = arith.constant 0.000000e+00 : f32
    %max3A_1011 = vector.broadcast %max3A_1010 : f32 to vector<16xf32>
    %max3A_1012 = arith.maximumf %neg3A_1009, %max3A_1011 : vector<16xf32>
    %max3A_1013 = arith.constant 0.000000e+00 : f32
    %max3A_1014 = vector.broadcast %max3A_1013 : f32 to vector<16xf32>
    %max3A_1015 = arith.maximumf %sub3A_1005, %max3A_1014 : vector<16xf32>
    %jit3A_1016 = arith.constant 0.000000e+00 : f32
    %broadcast_in_dim3A_1017 = vector.broadcast %jit3A_1016 : f32 to vector<16xf32>
    %select_n3A_1018 = arith.select %ge3A_986, %max3A_1015, %broadcast_in_dim3A_1017 : vector<16xi1>, vector<16xf32>
    %neg3A_1019 = arith.constant 0.000000e+00 : f32
    %neg3A_1020 = vector.broadcast %neg3A_1019 : f32 to vector<16xf32>
    %neg3A_1021 = arith.subf %neg3A_1020, %sub3A_1005 : vector<16xf32>
    %max3A_1022 = arith.constant 0.000000e+00 : f32
    %max3A_1023 = vector.broadcast %max3A_1022 : f32 to vector<16xf32>
    %max3A_1024 = arith.maximumf %neg3A_1021, %max3A_1023 : vector<16xf32>
    %jit3A_1025 = arith.constant 0.000000e+00 : f32
    %broadcast_in_dim3A_1026 = vector.broadcast %jit3A_1025 : f32 to vector<16xf32>
    %select_n3A_1027 = arith.select %ge3A_986, %max3A_1024, %broadcast_in_dim3A_1026 : vector<16xi1>, vector<16xf32>
    %add3A_1028 = arith.addf %broadcast_in_dim3A_967, %max3A_1007 : vector<16xf32>
    %mul3A_1029 = arith.mulf %max3A_1012, %max3A_1012 : vector<16xf32>
    %add3A_1030 = arith.addf %add3A_1028, %mul3A_1029 : vector<16xf32>
    %add3A_1031 = arith.addf %add3A_1030, %select_n3A_1018 : vector<16xf32>
    %mul3A_1032 = arith.mulf %select_n3A_1027, %select_n3A_1027 : vector<16xf32>
    %add3A_1033 = arith.addf %add3A_1031, %mul3A_1032 : vector<16xf32>
    %swap3A = arith.constant 0 : index
    %swap3A_1034 = tpu.vector_load %arg10[%swap3A] {strides = array<i32>} : memref<16xf32, #tpu.memory_space<vmem>>, vector<16xf32>,
    tpu.vector_store %arg10[%swap3A], %gather3A {strides = array<i32>} : memref<16xf32, #tpu.memory_space<vmem>>, vector<16xf32>,
    %swap3A_1035 = arith.constant 0 : index
    %swap3A_1036 = tpu.vector_load %arg11[%swap3A_1035] {strides = array<i32>} : memref<16xf32, #tpu.memory_space<vmem>>, vector<16xf32>,
    tpu.vector_store %arg11[%swap3A_1035], %gather3A_991 {strides = array<i32>} : memref<16xf32, #tpu.memory_space<vmem>>, vector<16xf32>,
    %dma_start3A = arith.constant 0 : i32
    %dma_start3A_1037 = tpu.memref_slice %arg28[%dma_start3A] : memref<592xf32, #tpu.memory_space<vmem_shared>> -> memref<592xf32, #tpu.memory_space<vmem_shared>>
    tpu.enqueue_indirect_dma source(%arg10 : memref<16xf32, #tpu.memory_space<vmem>>) target(%dma_start3A_1037 : memref<592xf32, #tpu.memory_space<vmem_shared>>) offsets(%select_n3A_1001 : vector<16xi32>) semaphore(%arg24 : memref<!tpu.dma_semaphore, #tpu.memory_space<semaphore_mem>>)
    %dma_start3A_1038 = arith.constant 0 : i32
    %dma_start3A_1039 = tpu.memref_slice %arg29[%dma_start3A_1038] : memref<576xf32, #tpu.memory_space<vmem_shared>> -> memref<576xf32, #tpu.memory_space<vmem_shared>>
    tpu.enqueue_indirect_dma source(%arg11 : memref<16xf32, #tpu.memory_space<vmem>>) target(%dma_start3A_1039 : memref<576xf32, #tpu.memory_space<vmem_shared>>) offsets(%add3A_357 : vector<16xi32>) semaphore(%arg24 : memref<!tpu.dma_semaphore, #tpu.memory_space<semaphore_mem>>)
    %mul3A_1040 = arith.constant 16 : i32
    %mul3A_1041 = arith.muli %add3A_7, %mul3A_1040 : i32
    %get3A_1042 = arith.index_cast %mul3A_1041 : i32 to index
    %get3A_1043 = tpu.vector_load %arg9[%get3A_1042] {strides = array<i32>} : memref<1728xi32, #tpu.memory_space<vmem>>, vector<16xi32>,
    %mul3A_1044 = arith.constant 16 : i32
    %mul3A_1045 = arith.muli %add3A_7, %mul3A_1044 : i32
    %add3A_1046 = arith.constant 576 : i32
    %add3A_1047 = arith.addi %add3A_1046, %mul3A_1045 : i32
    %get3A_1048 = arith.index_cast %add3A_1047 : i32 to index
    %get3A_1049 = tpu.vector_load %arg9[%get3A_1048] {strides = array<i32>} : memref<1728xi32, #tpu.memory_space<vmem>>, vector<16xi32>,
    %mul3A_1050 = arith.constant 16 : i32
    %mul3A_1051 = arith.muli %add3A_7, %mul3A_1050 : i32
    %add3A_1052 = arith.constant 1152 : i32
    %add3A_1053 = arith.addi %add3A_1052, %mul3A_1051 : i32
    %get3A_1054 = arith.index_cast %add3A_1053 : i32 to index
    %get3A_1055 = tpu.vector_load %arg9[%get3A_1054] {strides = array<i32>} : memref<1728xi32, #tpu.memory_space<vmem>>, vector<16xi32>,
    %ge3A_1056 = arith.constant 0 : i32
    %ge3A_1057 = vector.broadcast %ge3A_1056 : i32 to vector<16xi32>
    %ge3A_1058 = arith.cmpi sge, %get3A_1049, %ge3A_1057 : vector<16xi32>
    %jit3A_1059 = arith.constant 0 : i32
    %broadcast_in_dim3A_1060 = vector.broadcast %jit3A_1059 : i32 to vector<16xi32>
    %select_n3A_1061 = arith.select %ge3A_1058, %get3A_1049, %broadcast_in_dim3A_1060 : vector<16xi1>, vector<16xi32>
    %gather3A_1062 = tpu.vector_load_idx %arg8[%get3A_1043] : memref<256xf32, #tpu.memory_space<vmem>>[vector<16xi32>], vector<16xf32>,
    %gather3A_1063 = tpu.vector_load_idx %arg8[%select_n3A_1061] : memref<256xf32, #tpu.memory_space<vmem>>[vector<16xi32>], vector<16xf32>,
    %gather3A_1064 = tpu.vector_load_idx %arg8[%get3A_1055] : memref<256xf32, #tpu.memory_space<vmem>>[vector<16xi32>], vector<16xf32>,
    %ge3A_1065 = arith.constant 1 : i32
    %ge3A_1066 = vector.broadcast %ge3A_1065 : i32 to vector<16xi32>
    %ge3A_1067 = arith.cmpi sge, %add3A_661, %ge3A_1066 : vector<16xi32>
    %sub3A_1068 = arith.constant 1 : i32
    %sub3A_1069 = vector.broadcast %sub3A_1068 : i32 to vector<16xi32>
    %sub3A_1070 = arith.subi %add3A_661, %sub3A_1069 : vector<16xi32>
    %add3A_1071 = arith.constant 576 : i32
    %add3A_1072 = vector.broadcast %add3A_1071 : i32 to vector<16xi32>
    %add3A_1073 = arith.addi %add3A_1072, %iota3A : vector<16xi32>
    %select_n3A_1074 = arith.select %ge3A_1067, %sub3A_1070, %add3A_1073 : vector<16xi1>, vector<16xi32>
    %sub3A_1075 = arith.subf %gather3A_1063, %gather3A_1062 : vector<16xf32>
    %sub3A_1076 = arith.subf %gather3A_1064, %gather3A_1062 : vector<16xf32>
    %select_n3A_1077 = arith.select %ge3A_1058, %sub3A_1075, %sub3A_1076 : vector<16xi1>, vector<16xf32>
    %sub3A_1078 = arith.subf %gather3A_1064, %gather3A_1063 : vector<16xf32>
    %max3A_1079 = arith.constant 0.000000e+00 : f32
    %max3A_1080 = vector.broadcast %max3A_1079 : f32 to vector<16xf32>
    %max3A_1081 = arith.maximumf %select_n3A_1077, %max3A_1080 : vector<16xf32>
    %neg3A_1082 = arith.constant 0.000000e+00 : f32
    %neg3A_1083 = vector.broadcast %neg3A_1082 : f32 to vector<16xf32>
    %neg3A_1084 = arith.subf %neg3A_1083, %select_n3A_1077 : vector<16xf32>
    %max3A_1085 = arith.constant 0.000000e+00 : f32
    %max3A_1086 = vector.broadcast %max3A_1085 : f32 to vector<16xf32>
    %max3A_1087 = arith.maximumf %neg3A_1084, %max3A_1086 : vector<16xf32>
    %max3A_1088 = arith.constant 0.000000e+00 : f32
    %max3A_1089 = vector.broadcast %max3A_1088 : f32 to vector<16xf32>
    %max3A_1090 = arith.maximumf %sub3A_1078, %max3A_1089 : vector<16xf32>
    %jit3A_1091 = arith.constant 0.000000e+00 : f32
    %broadcast_in_dim3A_1092 = vector.broadcast %jit3A_1091 : f32 to vector<16xf32>
    %select_n3A_1093 = arith.select %ge3A_1058, %max3A_1090, %broadcast_in_dim3A_1092 : vector<16xi1>, vector<16xf32>
    %neg3A_1094 = arith.constant 0.000000e+00 : f32
    %neg3A_1095 = vector.broadcast %neg3A_1094 : f32 to vector<16xf32>
    %neg3A_1096 = arith.subf %neg3A_1095, %sub3A_1078 : vector<16xf32>
    %max3A_1097 = arith.constant 0.000000e+00 : f32
    %max3A_1098 = vector.broadcast %max3A_1097 : f32 to vector<16xf32>
    %max3A_1099 = arith.maximumf %neg3A_1096, %max3A_1098 : vector<16xf32>
    %jit3A_1100 = arith.constant 0.000000e+00 : f32
    %broadcast_in_dim3A_1101 = vector.broadcast %jit3A_1100 : f32 to vector<16xf32>
    %select_n3A_1102 = arith.select %ge3A_1058, %max3A_1099, %broadcast_in_dim3A_1101 : vector<16xi1>, vector<16xf32>
    %add3A_1103 = arith.addf %add3A_1033, %max3A_1081 : vector<16xf32>
    %mul3A_1104 = arith.mulf %max3A_1087, %max3A_1087 : vector<16xf32>
    %add3A_1105 = arith.addf %add3A_1103, %mul3A_1104 : vector<16xf32>
    %add3A_1106 = arith.addf %add3A_1105, %select_n3A_1093 : vector<16xf32>
    %mul3A_1107 = arith.mulf %select_n3A_1102, %select_n3A_1102 : vector<16xf32>
    %add3A_1108 = arith.addf %add3A_1106, %mul3A_1107 : vector<16xf32>
    %swap3A_1109 = arith.constant 0 : index
    %swap3A_1110 = tpu.vector_load %arg12[%swap3A_1109] {strides = array<i32>} : memref<16xf32, #tpu.memory_space<vmem>>, vector<16xf32>,
    tpu.vector_store %arg12[%swap3A_1109], %gather3A_1062 {strides = array<i32>} : memref<16xf32, #tpu.memory_space<vmem>>, vector<16xf32>,
    %swap3A_1111 = arith.constant 0 : index
    %swap3A_1112 = tpu.vector_load %arg13[%swap3A_1111] {strides = array<i32>} : memref<16xf32, #tpu.memory_space<vmem>>, vector<16xf32>,
    tpu.vector_store %arg13[%swap3A_1111], %gather3A_1064 {strides = array<i32>} : memref<16xf32, #tpu.memory_space<vmem>>, vector<16xf32>,
    %dma_start3A_1113 = arith.constant 0 : i32
    %dma_start3A_1114 = tpu.memref_slice %arg28[%dma_start3A_1113] : memref<592xf32, #tpu.memory_space<vmem_shared>> -> memref<592xf32, #tpu.memory_space<vmem_shared>>
    tpu.enqueue_indirect_dma source(%arg12 : memref<16xf32, #tpu.memory_space<vmem>>) target(%dma_start3A_1114 : memref<592xf32, #tpu.memory_space<vmem_shared>>) offsets(%select_n3A_1074 : vector<16xi32>) semaphore(%arg24 : memref<!tpu.dma_semaphore, #tpu.memory_space<semaphore_mem>>)
    %dma_start3A_1115 = arith.constant 0 : i32
    %dma_start3A_1116 = tpu.memref_slice %arg29[%dma_start3A_1115] : memref<576xf32, #tpu.memory_space<vmem_shared>> -> memref<576xf32, #tpu.memory_space<vmem_shared>>
    tpu.enqueue_indirect_dma source(%arg13 : memref<16xf32, #tpu.memory_space<vmem>>) target(%dma_start3A_1116 : memref<576xf32, #tpu.memory_space<vmem_shared>>) offsets(%add3A_661 : vector<16xi32>) semaphore(%arg24 : memref<!tpu.dma_semaphore, #tpu.memory_space<semaphore_mem>>)
    %swap3A_1117 = arith.constant 0 : index
    %swap3A_1118 = tpu.vector_load %arg16[%swap3A_1117] {strides = array<i32>} : memref<16xf32, #tpu.memory_space<vmem>>, vector<16xf32>,
    tpu.vector_store %arg16[%swap3A_1117], %add3A_1108 {strides = array<i32>} : memref<16xf32, #tpu.memory_space<vmem>>, vector<16xf32>,
    %convert_element_type3A = arith.extui %and3A : i1 to i32
    %cond3A = arith.constant 0 : i32
    %cond3A_1119 = arith.cmpi ne, %convert_element_type3A, %cond3A : i32
    scf.if %cond3A_1119 {
      %mul3A_1133 = arith.constant 16 : i32
      %mul3A_1134 = arith.muli %select_n3A, %mul3A_1133 : i32
      %get3A_1135 = arith.index_cast %mul3A_1134 : i32 to index
      %get3A_1136 = tpu.vector_load %arg9[%get3A_1135] {strides = array<i32>} : memref<1728xi32, #tpu.memory_space<vmem>>, vector<16xi32>,
      %mul3A_1137 = arith.constant 16 : i32
      %mul3A_1138 = arith.muli %select_n3A, %mul3A_1137 : i32
      %add3A_1139 = arith.constant 576 : i32
      %add3A_1140 = arith.addi %add3A_1139, %mul3A_1138 : i32
      %get3A_1141 = arith.index_cast %add3A_1140 : i32 to index
      %get3A_1142 = tpu.vector_load %arg9[%get3A_1141] {strides = array<i32>} : memref<1728xi32, #tpu.memory_space<vmem>>, vector<16xi32>,
      %mul3A_1143 = arith.constant 16 : i32
      %mul3A_1144 = arith.muli %select_n3A, %mul3A_1143 : i32
      %add3A_1145 = arith.constant 1152 : i32
      %add3A_1146 = arith.addi %add3A_1145, %mul3A_1144 : i32
      %get3A_1147 = arith.index_cast %add3A_1146 : i32 to index
      %get3A_1148 = tpu.vector_load %arg9[%get3A_1147] {strides = array<i32>} : memref<1728xi32, #tpu.memory_space<vmem>>, vector<16xi32>,
      %ge3A_1149 = arith.constant 0 : i32
      %ge3A_1150 = vector.broadcast %ge3A_1149 : i32 to vector<16xi32>
      %ge3A_1151 = arith.cmpi sge, %get3A_1142, %ge3A_1150 : vector<16xi32>
      %jit3A_1152 = arith.constant 0 : i32
      %broadcast_in_dim3A_1153 = vector.broadcast %jit3A_1152 : i32 to vector<16xi32>
      %select_n3A_1154 = arith.select %ge3A_1151, %get3A_1142, %broadcast_in_dim3A_1153 : vector<16xi1>, vector<16xi32>
      %gather3A_1155 = tpu.vector_load_idx %arg8[%get3A_1136] : memref<256xf32, #tpu.memory_space<vmem>>[vector<16xi32>], vector<16xf32>,
      %gather3A_1156 = tpu.vector_load_idx %arg8[%select_n3A_1154] : memref<256xf32, #tpu.memory_space<vmem>>[vector<16xi32>], vector<16xf32>,
      %gather3A_1157 = tpu.vector_load_idx %arg8[%get3A_1148] : memref<256xf32, #tpu.memory_space<vmem>>[vector<16xi32>], vector<16xf32>,
      %ge3A_1158 = arith.constant 1 : i32
      %ge3A_1159 = vector.broadcast %ge3A_1158 : i32 to vector<16xi32>
      %ge3A_1160 = arith.cmpi sge, %add3A_965, %ge3A_1159 : vector<16xi32>
      %sub3A_1161 = arith.constant 1 : i32
      %sub3A_1162 = vector.broadcast %sub3A_1161 : i32 to vector<16xi32>
      %sub3A_1163 = arith.subi %add3A_965, %sub3A_1162 : vector<16xi32>
      %add3A_1164 = arith.constant 576 : i32
      %add3A_1165 = vector.broadcast %add3A_1164 : i32 to vector<16xi32>
      %add3A_1166 = arith.addi %add3A_1165, %iota3A : vector<16xi32>
      %select_n3A_1167 = arith.select %ge3A_1160, %sub3A_1163, %add3A_1166 : vector<16xi1>, vector<16xi32>
      %sub3A_1168 = arith.subf %gather3A_1156, %gather3A_1155 : vector<16xf32>
      %sub3A_1169 = arith.subf %gather3A_1157, %gather3A_1155 : vector<16xf32>
      %select_n3A_1170 = arith.select %ge3A_1151, %sub3A_1168, %sub3A_1169 : vector<16xi1>, vector<16xf32>
      %sub3A_1171 = arith.subf %gather3A_1157, %gather3A_1156 : vector<16xf32>
      %max3A_1172 = arith.constant 0.000000e+00 : f32
      %max3A_1173 = vector.broadcast %max3A_1172 : f32 to vector<16xf32>
      %max3A_1174 = arith.maximumf %select_n3A_1170, %max3A_1173 : vector<16xf32>
      %neg3A_1175 = arith.constant 0.000000e+00 : f32
      %neg3A_1176 = vector.broadcast %neg3A_1175 : f32 to vector<16xf32>
      %neg3A_1177 = arith.subf %neg3A_1176, %select_n3A_1170 : vector<16xf32>
      %max3A_1178 = arith.constant 0.000000e+00 : f32
      %max3A_1179 = vector.broadcast %max3A_1178 : f32 to vector<16xf32>
      %max3A_1180 = arith.maximumf %neg3A_1177, %max3A_1179 : vector<16xf32>
      %max3A_1181 = arith.constant 0.000000e+00 : f32
      %max3A_1182 = vector.broadcast %max3A_1181 : f32 to vector<16xf32>
      %max3A_1183 = arith.maximumf %sub3A_1171, %max3A_1182 : vector<16xf32>
      %jit3A_1184 = arith.constant 0.000000e+00 : f32
      %broadcast_in_dim3A_1185 = vector.broadcast %jit3A_1184 : f32 to vector<16xf32>
      %select_n3A_1186 = arith.select %ge3A_1151, %max3A_1183, %broadcast_in_dim3A_1185 : vector<16xi1>, vector<16xf32>
      %neg3A_1187 = arith.constant 0.000000e+00 : f32
      %neg3A_1188 = vector.broadcast %neg3A_1187 : f32 to vector<16xf32>
      %neg3A_1189 = arith.subf %neg3A_1188, %sub3A_1171 : vector<16xf32>
      %max3A_1190 = arith.constant 0.000000e+00 : f32
      %max3A_1191 = vector.broadcast %max3A_1190 : f32 to vector<16xf32>
      %max3A_1192 = arith.maximumf %neg3A_1189, %max3A_1191 : vector<16xf32>
      %jit3A_1193 = arith.constant 0.000000e+00 : f32
      %broadcast_in_dim3A_1194 = vector.broadcast %jit3A_1193 : f32 to vector<16xf32>
      %select_n3A_1195 = arith.select %ge3A_1151, %max3A_1192, %broadcast_in_dim3A_1194 : vector<16xi1>, vector<16xf32>
      %add3A_1196 = arith.addf %add3A_1108, %max3A_1174 : vector<16xf32>
      %mul3A_1197 = arith.mulf %max3A_1180, %max3A_1180 : vector<16xf32>
      %add3A_1198 = arith.addf %add3A_1196, %mul3A_1197 : vector<16xf32>
      %add3A_1199 = arith.addf %add3A_1198, %select_n3A_1186 : vector<16xf32>
      %mul3A_1200 = arith.mulf %select_n3A_1195, %select_n3A_1195 : vector<16xf32>
      %add3A_1201 = arith.addf %add3A_1199, %mul3A_1200 : vector<16xf32>
      %swap3A_1202 = arith.constant 0 : index
      %swap3A_1203 = tpu.vector_load %arg14[%swap3A_1202] {strides = array<i32>} : memref<16xf32, #tpu.memory_space<vmem>>, vector<16xf32>,
      tpu.vector_store %arg14[%swap3A_1202], %gather3A_1155 {strides = array<i32>} : memref<16xf32, #tpu.memory_space<vmem>>, vector<16xf32>,
      %swap3A_1204 = arith.constant 0 : index
      %swap3A_1205 = tpu.vector_load %arg15[%swap3A_1204] {strides = array<i32>} : memref<16xf32, #tpu.memory_space<vmem>>, vector<16xf32>,
      tpu.vector_store %arg15[%swap3A_1204], %gather3A_1157 {strides = array<i32>} : memref<16xf32, #tpu.memory_space<vmem>>, vector<16xf32>,
      "tpu.region"() ({
        %run_scoped3A = tpu.sem_alloc : memref<!tpu.dma_semaphore, #tpu.memory_space<semaphore_mem>>
        %dma_start3A_1208 = arith.constant 0 : i32
        %dma_start3A_1209 = tpu.memref_slice %arg28[%dma_start3A_1208] : memref<592xf32, #tpu.memory_space<vmem_shared>> -> memref<592xf32, #tpu.memory_space<vmem_shared>>
        tpu.enqueue_indirect_dma source(%arg14 : memref<16xf32, #tpu.memory_space<vmem>>) target(%dma_start3A_1209 : memref<592xf32, #tpu.memory_space<vmem_shared>>) offsets(%select_n3A_1167 : vector<16xi32>) semaphore(%run_scoped3A : memref<!tpu.dma_semaphore, #tpu.memory_space<semaphore_mem>>)
        %dma_wait3A_1210 = arith.constant 0 : i32
        %dma_wait3A_1211 = tpu.memref_slice %arg28[%dma_wait3A_1210] : memref<592xf32, #tpu.memory_space<vmem_shared>> -> memref<592xf32, #tpu.memory_space<vmem_shared>>
        tpu.wait_indirect_dma semaphore(%run_scoped3A : memref<!tpu.dma_semaphore, #tpu.memory_space<semaphore_mem>>) src(%arg14 : memref<16xf32, #tpu.memory_space<vmem>>) dst(%dma_wait3A_1211 : memref<592xf32, #tpu.memory_space<vmem_shared>>)
        tpu.yield
      }) : () -> ()
      "tpu.region"() ({
        %run_scoped3A = tpu.sem_alloc : memref<!tpu.dma_semaphore, #tpu.memory_space<semaphore_mem>>
        %dma_start3A_1208 = arith.constant 0 : i32
        %dma_start3A_1209 = tpu.memref_slice %arg29[%dma_start3A_1208] : memref<576xf32, #tpu.memory_space<vmem_shared>> -> memref<576xf32, #tpu.memory_space<vmem_shared>>
        tpu.enqueue_indirect_dma source(%arg15 : memref<16xf32, #tpu.memory_space<vmem>>) target(%dma_start3A_1209 : memref<576xf32, #tpu.memory_space<vmem_shared>>) offsets(%add3A_965 : vector<16xi32>) semaphore(%run_scoped3A : memref<!tpu.dma_semaphore, #tpu.memory_space<semaphore_mem>>)
        %dma_wait3A_1210 = arith.constant 0 : i32
        %dma_wait3A_1211 = tpu.memref_slice %arg29[%dma_wait3A_1210] : memref<576xf32, #tpu.memory_space<vmem_shared>> -> memref<576xf32, #tpu.memory_space<vmem_shared>>
        tpu.wait_indirect_dma semaphore(%run_scoped3A : memref<!tpu.dma_semaphore, #tpu.memory_space<semaphore_mem>>) src(%arg15 : memref<16xf32, #tpu.memory_space<vmem>>) dst(%dma_wait3A_1211 : memref<576xf32, #tpu.memory_space<vmem_shared>>)
        tpu.yield
      }) : () -> ()
      %swap3A_1206 = arith.constant 0 : index
      %swap3A_1207 = tpu.vector_load %arg16[%swap3A_1206] {strides = array<i32>} : memref<16xf32, #tpu.memory_space<vmem>>, vector<16xf32>,
      tpu.vector_store %arg16[%swap3A_1206], %add3A_1201 {strides = array<i32>} : memref<16xf32, #tpu.memory_space<vmem>>, vector<16xf32>,
    } else {
    }
    %mul3A_1120 = arith.constant 16 : i32
    %mul3A_1121 = arith.muli %arg1, %mul3A_1120 : i32
    "tpu.region"() ({
      %run_scoped3A = tpu.sem_alloc : memref<!tpu.dma_semaphore, #tpu.memory_space<semaphore_mem>>
      %dma_start3A_1133 = tpu.memref_slice %arg30[%mul3A_1121] : memref<256xf32, #tpu.memory_space<vmem_shared>> -> memref<16xf32, #tpu.memory_space<vmem_shared>>
      %dma_start3A_1134 = tpu.memref_slice %arg30[%mul3A_1121] : memref<256xf32, #tpu.memory_space<vmem_shared>> -> memref<16xf32, #tpu.memory_space<vmem_shared>>
      tpu.enqueue_dma source(%arg16 : memref<16xf32, #tpu.memory_space<vmem>>) target(%dma_start3A_1134 : memref<16xf32, #tpu.memory_space<vmem_shared>>) target_semaphore(%run_scoped3A : memref<!tpu.dma_semaphore, #tpu.memory_space<semaphore_mem>>)
      %dma_wait3A_1135 = tpu.memref_slice %arg30[%mul3A_1121] : memref<256xf32, #tpu.memory_space<vmem_shared>> -> memref<16xf32, #tpu.memory_space<vmem_shared>>
      %dma_wait3A_1136 = tpu.memref_slice %arg30[%mul3A_1121] : memref<256xf32, #tpu.memory_space<vmem_shared>> -> memref<16xf32, #tpu.memory_space<vmem_shared>>
      tpu.wait_dma2 semaphore(%run_scoped3A : memref<!tpu.dma_semaphore, #tpu.memory_space<semaphore_mem>>) src(%arg16 : memref<16xf32, #tpu.memory_space<vmem>>) dst(%dma_wait3A_1136 : memref<16xf32, #tpu.memory_space<vmem_shared>>)
      tpu.yield
    }) : () -> ()
    %dma_wait3A = arith.constant 0 : i32
    %dma_wait3A_1122 = tpu.memref_slice %arg28[%dma_wait3A] : memref<592xf32, #tpu.memory_space<vmem_shared>> -> memref<592xf32, #tpu.memory_space<vmem_shared>>
    tpu.wait_indirect_dma semaphore(%arg24 : memref<!tpu.dma_semaphore, #tpu.memory_space<semaphore_mem>>) src(%arg10 : memref<16xf32, #tpu.memory_space<vmem>>) dst(%dma_wait3A_1122 : memref<592xf32, #tpu.memory_space<vmem_shared>>)
    %dma_wait3A_1123 = arith.constant 0 : i32
    %dma_wait3A_1124 = tpu.memref_slice %arg29[%dma_wait3A_1123] : memref<576xf32, #tpu.memory_space<vmem_shared>> -> memref<576xf32, #tpu.memory_space<vmem_shared>>
    tpu.wait_indirect_dma semaphore(%arg24 : memref<!tpu.dma_semaphore, #tpu.memory_space<semaphore_mem>>) src(%arg11 : memref<16xf32, #tpu.memory_space<vmem>>) dst(%dma_wait3A_1124 : memref<576xf32, #tpu.memory_space<vmem_shared>>)
    %dma_wait3A_1125 = arith.constant 0 : i32
    %dma_wait3A_1126 = tpu.memref_slice %arg28[%dma_wait3A_1125] : memref<592xf32, #tpu.memory_space<vmem_shared>> -> memref<592xf32, #tpu.memory_space<vmem_shared>>
    tpu.wait_indirect_dma semaphore(%arg24 : memref<!tpu.dma_semaphore, #tpu.memory_space<semaphore_mem>>) src(%arg12 : memref<16xf32, #tpu.memory_space<vmem>>) dst(%dma_wait3A_1126 : memref<592xf32, #tpu.memory_space<vmem_shared>>)
    %dma_wait3A_1127 = arith.constant 0 : i32
    %dma_wait3A_1128 = tpu.memref_slice %arg29[%dma_wait3A_1127] : memref<576xf32, #tpu.memory_space<vmem_shared>> -> memref<576xf32, #tpu.memory_space<vmem_shared>>
    tpu.wait_indirect_dma semaphore(%arg24 : memref<!tpu.dma_semaphore, #tpu.memory_space<semaphore_mem>>) src(%arg13 : memref<16xf32, #tpu.memory_space<vmem>>) dst(%dma_wait3A_1128 : memref<576xf32, #tpu.memory_space<vmem_shared>>)
    %barrier3A = arith.constant 0 : index
    tpu.barrier barrier_id(%barrier3A)
    %eq3A = arith.constant 0 : i32
    %eq3A_1129 = arith.cmpi eq, %arg1, %eq3A : i32
    %convert_element_type3A_1130 = arith.extui %eq3A_1129 : i1 to i32
    %cond3A_1131 = arith.constant 0 : i32
    %cond3A_1132 = arith.cmpi ne, %convert_element_type3A_1130, %cond3A_1131 : i32
    scf.if %cond3A_1132 {
      tpu.enqueue_dma source(%arg28 : memref<592xf32, #tpu.memory_space<vmem_shared>>) target(%arg17 : memref<592xf32, #tpu.memory_space<vmem>>) target_semaphore(%arg25 : memref<!tpu.dma_semaphore, #tpu.memory_space<semaphore_mem>>)
      tpu.enqueue_dma source(%arg29 : memref<576xf32, #tpu.memory_space<vmem_shared>>) target(%arg18 : memref<576xf32, #tpu.memory_space<vmem>>) target_semaphore(%arg26 : memref<!tpu.dma_semaphore, #tpu.memory_space<semaphore_mem>>)
      tpu.enqueue_dma source(%arg30 : memref<256xf32, #tpu.memory_space<vmem_shared>>) target(%arg19 : memref<256xf32, #tpu.memory_space<vmem>>) target_semaphore(%arg27 : memref<!tpu.dma_semaphore, #tpu.memory_space<semaphore_mem>>)
      tpu.wait_dma2 semaphore(%arg25 : memref<!tpu.dma_semaphore, #tpu.memory_space<semaphore_mem>>) src(%arg28 : memref<592xf32, #tpu.memory_space<vmem_shared>>) dst(%arg17 : memref<592xf32, #tpu.memory_space<vmem>>)
      tpu.wait_dma2 semaphore(%arg26 : memref<!tpu.dma_semaphore, #tpu.memory_space<semaphore_mem>>) src(%arg29 : memref<576xf32, #tpu.memory_space<vmem_shared>>) dst(%arg18 : memref<576xf32, #tpu.memory_space<vmem>>)
      tpu.wait_dma2 semaphore(%arg27 : memref<!tpu.dma_semaphore, #tpu.memory_space<semaphore_mem>>) src(%arg30 : memref<256xf32, #tpu.memory_space<vmem_shared>>) dst(%arg19 : memref<256xf32, #tpu.memory_space<vmem>>)
      %broadcast_in_dim3A_1133 = arith.constant 0.000000e+00 : f32
      %broadcast_in_dim3A_1134 = vector.broadcast %broadcast_in_dim3A_1133 : f32 to vector<16xf32>
      %scan3A_1135 = arith.constant 0 : i32
      %scan3A_1136 = arith.constant 18 : i32
      %scan3A_1137 = arith.addi %scan3A_1135, %scan3A_1136 : i32
      %scan3A_1138 = arith.constant 1 : i32
      %scan3A_1139:2 = scf.for %scan3A_1170 = %scan3A_1135 to %scan3A_1137 step %scan3A_1138 iter_args(%scan3A_1171 = %broadcast_in_dim3A_1134, %scan3A_1172 = %broadcast_in_dim3A_1134) -> (vector<16xf32>, vector<16xf32>)  : i32 {
        %add3A_1173 = arith.constant 18 : i32
        %add3A_1174 = arith.addi %scan3A_1170, %add3A_1173 : i32
        %mul3A_1175 = arith.constant 16 : i32
        %mul3A_1176 = arith.muli %scan3A_1170, %mul3A_1175 : i32
        %get3A_1177 = arith.index_cast %mul3A_1176 : i32 to index
        %get3A_1178 = tpu.vector_load %arg17[%get3A_1177] {strides = array<i32>} : memref<592xf32, #tpu.memory_space<vmem>>, vector<16xf32>,
        %get3A_1179 = arith.index_cast %mul3A_1176 : i32 to index
        %get3A_1180 = tpu.vector_load %arg18[%get3A_1179] {strides = array<i32>} : memref<576xf32, #tpu.memory_space<vmem>>, vector<16xf32>,
        %sub3A_1181 = arith.subf %get3A_1178, %get3A_1180 : vector<16xf32>
        %max3A_1182 = arith.constant 0.000000e+00 : f32
        %max3A_1183 = vector.broadcast %max3A_1182 : f32 to vector<16xf32>
        %max3A_1184 = arith.maximumf %sub3A_1181, %max3A_1183 : vector<16xf32>
        %neg3A_1185 = arith.constant 0.000000e+00 : f32
        %neg3A_1186 = vector.broadcast %neg3A_1185 : f32 to vector<16xf32>
        %neg3A_1187 = arith.subf %neg3A_1186, %sub3A_1181 : vector<16xf32>
        %max3A_1188 = arith.constant 0.000000e+00 : f32
        %max3A_1189 = vector.broadcast %max3A_1188 : f32 to vector<16xf32>
        %max3A_1190 = arith.maximumf %neg3A_1187, %max3A_1189 : vector<16xf32>
        %mul3A_1191 = arith.mulf %max3A_1190, %max3A_1190 : vector<16xf32>
        %add3A_1192 = arith.addf %max3A_1184, %mul3A_1191 : vector<16xf32>
        %mul3A_1193 = arith.constant 16 : i32
        %mul3A_1194 = arith.muli %scan3A_1170, %mul3A_1193 : i32
        %add3A_1195 = vector.broadcast %mul3A_1194 : i32 to vector<16xi32>
        %add3A_1196 = arith.addi %iota3A, %add3A_1195 : vector<16xi32>
        %lt3A_1197 = arith.constant 575 : i32
        %lt3A_1198 = vector.broadcast %lt3A_1197 : i32 to vector<16xi32>
        %lt3A_1199 = arith.cmpi slt, %add3A_1196, %lt3A_1198 : vector<16xi32>
        %jit3A_1200 = arith.constant 0.000000e+00 : f32
        %broadcast_in_dim3A_1201 = vector.broadcast %jit3A_1200 : f32 to vector<16xf32>
        %select_n3A_1202 = arith.select %lt3A_1199, %add3A_1192, %broadcast_in_dim3A_1201 : vector<16xi1>, vector<16xf32>
        %add3A_1203 = arith.addf %scan3A_1171, %select_n3A_1202 : vector<16xf32>
        %mul3A_1204 = arith.constant 16 : i32
        %mul3A_1205 = arith.muli %add3A_1174, %mul3A_1204 : i32
        %get3A_1206 = arith.index_cast %mul3A_1205 : i32 to index
        %get3A_1207 = tpu.vector_load %arg17[%get3A_1206] {strides = array<i32>} : memref<592xf32, #tpu.memory_space<vmem>>, vector<16xf32>,
        %get3A_1208 = arith.index_cast %mul3A_1205 : i32 to index
        %get3A_1209 = tpu.vector_load %arg18[%get3A_1208] {strides = array<i32>} : memref<576xf32, #tpu.memory_space<vmem>>, vector<16xf32>,
        %sub3A_1210 = arith.subf %get3A_1207, %get3A_1209 : vector<16xf32>
        %max3A_1211 = arith.constant 0.000000e+00 : f32
        %max3A_1212 = vector.broadcast %max3A_1211 : f32 to vector<16xf32>
        %max3A_1213 = arith.maximumf %sub3A_1210, %max3A_1212 : vector<16xf32>
        %neg3A_1214 = arith.constant 0.000000e+00 : f32
        %neg3A_1215 = vector.broadcast %neg3A_1214 : f32 to vector<16xf32>
        %neg3A_1216 = arith.subf %neg3A_1215, %sub3A_1210 : vector<16xf32>
        %max3A_1217 = arith.constant 0.000000e+00 : f32
        %max3A_1218 = vector.broadcast %max3A_1217 : f32 to vector<16xf32>
        %max3A_1219 = arith.maximumf %neg3A_1216, %max3A_1218 : vector<16xf32>
        %mul3A_1220 = arith.mulf %max3A_1219, %max3A_1219 : vector<16xf32>
        %add3A_1221 = arith.addf %max3A_1213, %mul3A_1220 : vector<16xf32>
        %mul3A_1222 = arith.constant 16 : i32
        %mul3A_1223 = arith.muli %add3A_1174, %mul3A_1222 : i32
        %add3A_1224 = vector.broadcast %mul3A_1223 : i32 to vector<16xi32>
        %add3A_1225 = arith.addi %iota3A, %add3A_1224 : vector<16xi32>
        %lt3A_1226 = arith.constant 575 : i32
        %lt3A_1227 = vector.broadcast %lt3A_1226 : i32 to vector<16xi32>
        %lt3A_1228 = arith.cmpi slt, %add3A_1225, %lt3A_1227 : vector<16xi32>
        %jit3A_1229 = arith.constant 0.000000e+00 : f32
        %broadcast_in_dim3A_1230 = vector.broadcast %jit3A_1229 : f32 to vector<16xf32>
        %select_n3A_1231 = arith.select %lt3A_1228, %add3A_1221, %broadcast_in_dim3A_1230 : vector<16xi1>, vector<16xf32>
        %add3A_1232 = arith.addf %scan3A_1172, %select_n3A_1231 : vector<16xf32>
        scf.yield %add3A_1203, %add3A_1232 : vector<16xf32>, vector<16xf32>
      }
      %scan3A_1140 = arith.constant 18 : i32
      %add3A_1141 = arith.addf %scan3A_1139#0, %scan3A_1139#1 : vector<16xf32>
      %scan3A_1142 = arith.constant 0 : i32
      %scan3A_1143 = arith.constant 8 : i32
      %scan3A_1144 = arith.addi %scan3A_1142, %scan3A_1143 : i32
      %scan3A_1145 = arith.constant 1 : i32
      %scan3A_1146:2 = scf.for %scan3A_1170 = %scan3A_1142 to %scan3A_1144 step %scan3A_1145 iter_args(%scan3A_1171 = %broadcast_in_dim3A_1134, %scan3A_1172 = %broadcast_in_dim3A_1134) -> (vector<16xf32>, vector<16xf32>)  : i32 {
        %mul3A_1173 = arith.constant 16 : i32
        %mul3A_1174 = arith.muli %scan3A_1170, %mul3A_1173 : i32
        %get3A_1175 = arith.index_cast %mul3A_1174 : i32 to index
        %get3A_1176 = tpu.vector_load %arg19[%get3A_1175] {strides = array<i32>} : memref<256xf32, #tpu.memory_space<vmem>>, vector<16xf32>,
        %add3A_1177 = arith.addf %scan3A_1171, %get3A_1176 : vector<16xf32>
        %add3A_1178 = arith.constant 8 : i32
        %add3A_1179 = arith.addi %scan3A_1170, %add3A_1178 : i32
        %mul3A_1180 = arith.constant 16 : i32
        %mul3A_1181 = arith.muli %add3A_1179, %mul3A_1180 : i32
        %get3A_1182 = arith.index_cast %mul3A_1181 : i32 to index
        %get3A_1183 = tpu.vector_load %arg19[%get3A_1182] {strides = array<i32>} : memref<256xf32, #tpu.memory_space<vmem>>, vector<16xf32>,
        %add3A_1184 = arith.addf %scan3A_1172, %get3A_1183 : vector<16xf32>
        scf.yield %add3A_1177, %add3A_1184 : vector<16xf32>, vector<16xf32>
      }
      %scan3A_1147 = arith.constant 8 : i32
      %add3A_1148 = arith.addf %scan3A_1146#0, %scan3A_1146#1 : vector<16xf32>
      %reduce_sum3A = arith.constant true
      %reduce_sum3A_1149 = vector.broadcast %reduce_sum3A : i1 to vector<16xi1>
      %reduce_sum3A_1150 = tpu.scan <sum>, %add3A_1141 masked %reduce_sum3A_1149 : vector<16xf32>, vector<16xi1> -> vector<16xf32>
      %reduce_sum3A_1151 = vector.extract %reduce_sum3A_1150[15] : f32 from vector<16xf32>
      %reduce_sum3A_1152 = arith.constant true
      %reduce_sum3A_1153 = vector.broadcast %reduce_sum3A_1152 : i1 to vector<16xi1>
      %reduce_sum3A_1154 = tpu.scan <sum>, %add3A_1148 masked %reduce_sum3A_1153 : vector<16xf32>, vector<16xi1> -> vector<16xf32>
      %reduce_sum3A_1155 = vector.extract %reduce_sum3A_1154[15] : f32 from vector<16xf32>
      %eq3A_1156 = arith.constant 0 : i32
      %eq3A_1157 = vector.broadcast %eq3A_1156 : i32 to vector<16xi32>
      %eq3A_1158 = arith.cmpi eq, %iota3A, %eq3A_1157 : vector<16xi32>
      %eq3A_1159 = arith.constant 1 : i32
      %eq3A_1160 = vector.broadcast %eq3A_1159 : i32 to vector<16xi32>
      %eq3A_1161 = arith.cmpi eq, %iota3A, %eq3A_1160 : vector<16xi32>
      %jit3A_1162 = arith.constant 0.000000e+00 : f32
      %broadcast_in_dim3A_1163 = vector.broadcast %reduce_sum3A_1155 : f32 to vector<16xf32>
      %broadcast_in_dim3A_1164 = vector.broadcast %jit3A_1162 : f32 to vector<16xf32>
      %select_n3A_1165 = arith.select %eq3A_1161, %broadcast_in_dim3A_1163, %broadcast_in_dim3A_1164 : vector<16xi1>, vector<16xf32>
      %broadcast_in_dim3A_1166 = vector.broadcast %reduce_sum3A_1151 : f32 to vector<16xf32>
      %select_n3A_1167 = arith.select %eq3A_1158, %broadcast_in_dim3A_1166, %select_n3A_1165 : vector<16xi1>, vector<16xf32>
      %swap3A_1168 = arith.constant 0 : index
      %swap3A_1169 = tpu.vector_load %arg20[%swap3A_1168] {strides = array<i32>} : memref<16xf32, #tpu.memory_space<vmem>>, vector<16xf32>,
      tpu.vector_store %arg20[%swap3A_1168], %select_n3A_1167 {strides = array<i32>} : memref<16xf32, #tpu.memory_space<vmem>>, vector<16xf32>,
      "tpu.region"() ({
        %run_scoped3A = tpu.sem_alloc : memref<!tpu.dma_semaphore, #tpu.memory_space<semaphore_mem>>
        tpu.enqueue_dma source(%arg20 : memref<16xf32, #tpu.memory_space<vmem>>) target(%arg5 : memref<16xf32, #tpu.memory_space<hbm>>) target_semaphore(%run_scoped3A : memref<!tpu.dma_semaphore, #tpu.memory_space<semaphore_mem>>)
        tpu.wait_dma2 semaphore(%run_scoped3A : memref<!tpu.dma_semaphore, #tpu.memory_space<semaphore_mem>>) src(%arg20 : memref<16xf32, #tpu.memory_space<vmem>>) dst(%arg5 : memref<16xf32, #tpu.memory_space<hbm>>)
        tpu.yield
      }) : () -> ()
    } else {
    }
    return
  }
}

</mosaic_0001>

<sc_bundles>
// kernel: kernel.3.cloned.1.call-start
scs
__scs_entry_jumppad:
0x0: {  	(pc) =	sbr.rel $0x88, $3  }
0x1: {  	(tag) =	ssettag $0x0;
	lr =	simm.s32 $0x1  }
0x2: {  	[smem:$0x3F9F] =	sst lr;
	_ =	strace $0xD0000000  }
0x3: {  	_ = 	snop  }
0x4: {  	_ = 	snop  }
0x5: {  	_ = 	snop  }
0x6: {  	_ = 	snop  }
0x7: {  	_ = 	snop  }
__scs_overlays_trampoline_lowered:
0x8: {  	[smem:$0x3FAE] =	sst s0  }
0x9: {  	[smem:$0x3FAF] =	sst s1  }
0xa: {  	[smem:$0x3FB0] =	sst s2  }
0xb: {  	[smem:$0x3FB1] =	sst s3  }
0xc: {  	[smem:$0x3FB2] =	sst s4  }
0xd: {  	[smem:$0x3FB3] =	sst s5  }
0xe: {  	[smem:$0x3FB4] =	sst s6  }
0xf: {  	[smem:$0x3FB5] =	sst s7  }
0x10: {  	[smem:$0x3FB6] =	sst s8  }
0x11: {  	[smem:$0x3FB7] =	sst s9;
	s0 =	simm.s32 @!p0 $0x0  }
0x12: {  	s1 =	sld [smem:$0x3F9D];
	s0 =	simm.s32 @p0 $0x1  }
0x13: {  	[smem:$0x3FB8] =	sst s0;
	s0 =	simm.s32 @!p1 $0x0  }
0x14: {  	s2 =	sld [smem:$0x3F9C];
	s0 =	simm.s32 @p1 $0x1  }
0x15: {  	[smem:$0x3FB9] =	sst s0;
	s0 =	simm.s32 @!p2 $0x0  }
0x16: {  	s3 =	sld [smem:$0x3FDB];
	s0 =	simm.s32 @p2 $0x1  }
0x17: {  	s4 =	simm.s32 $0x1BF5;
	[smem:$0x3FBB] =	sst s0  }
0x18: {  	s0 =	sld [smem:$0x3F9E];
	_ =	swait.ge [sflag:s4], $0x0  }
0x19: {  	s7 =	sld [smem:$0x3F9F]  }
0x1a: {  	s8 =	sadd.s32 $0xFFFFE003, lr  }
0x1b: {  	s9 =	sadd.s32 $0xFFFFFEF7, lr;
	s5 =	simm.s32 $0xFFFFFFFF;
	p2 =	slt.u32 s8, $0xFFFFF086  }
0x1c: {  	p1 =	slt.u32 s9, $0xF7A;
	s5 =	simm.s32 @!p2 $0x0  }
0x1d: {  	s5 =	simm.s32 @p1 $0x1;
	p0 =	seq.s32 s7, s2  }
0x1e: {  	s7 =	smul.u32 @!p0 $0xF7A, s2;
	p2 =	seq.s32 @!p0 s5, $0x0  }
0x1f: {  	s9 =	smul.u32 $0xF7A, s1;
	s8 =	simm.s32 @!p0 $0x1BF5;
	p2 =	por !p2, p0  }
0x20: {  	[sflag:s8] =	ssyncset.s32 @!p0 $0xFFFFF086;
	s6 =	sadd.s32 @!p0 s3, s7;
	s7 =	simm.s32 @!p0 $0x108  }
0x21: {  	s3 =	sadd.s32 s3, s9;
	s6 =	sadd.s32 @!p0 $0x88, s6;
	s7 =	simm.s32 @p2 $0x1082  }
0x22: {  	[simem:s7], [sflag:s8] =	dma.local @!p0 [hbm:s6], $0xF7A  }
0x23: {  	s9 =	sor.u32 $0xD0000000, s2;
	s6 =	simm.s32 $0x108;
	_ =	swait.ge @!p0 [sflag:s8], $0x0  }
0x24: {  	s3 =	sadd.s32 $0x88, s3;
	s6 =	simm.s32 @!p1 $0x1082;
	[sflag:s4] =	ssyncset.s32 $0xFFFFF086  }
0x25: {  	[simem:s6], [sflag:s4] =	dma.local [hbm:s3], $0xF7A  }
0x26: {  	[smem:$0x3F9F] =	sst s1;
	(tag) =	ssettag s2;
	_ =	strace s9  }
0x27: {  	s1 =	sld [smem:$0x3FAF]  }
0x28: {  	s2 =	sld [smem:$0x3FB0]  }
0x29: {  	s4 =	sld [smem:$0x3FB2]  }
0x2a: {  	p0 =	seq.s32 s5, $0x0;
	s5 =	sld [smem:$0x3FB3]  }
0x2b: {  	s6 =	sld [smem:$0x3FB4]  }
0x2c: {  	s7 =	sld [smem:$0x3FB5]  }
0x2d: {  	s3 =	simm.s32 $0x108;
	s8 =	sld [smem:$0x3FB6]  }
0x2e: {  	s3 =	simm.s32 @!p0 $0x1082;
	s9 =	sld [smem:$0x3FB7]  }
0x2f: {  	lr =	sadd.s32 s0, s3;
	s0 =	sld [smem:$0x3FAE]  }
0x30: {  	s3 =	sld [smem:$0x3FB1]  }
0x31: {  	[smem:$0x3FBA] =	sst s10  }
0x32: {  	s10 =	sld [smem:$0x3FB8];
	_ =	sdelay $0x3  }
0x33: {  	p0 =	seq.s32 s10, $0x1;
	s10 =	sld [smem:$0x3FBA];
	_ =	sdelay $0x3  }
0x34: {  	[smem:$0x3FBA] =	sst s10  }
0x35: {  	s10 =	sld [smem:$0x3FB9];
	_ =	sdelay $0x3  }
0x36: {  	p1 =	seq.s32 s10, $0x1;
	s10 =	sld [smem:$0x3FBA];
	_ =	sdelay $0x3  }
0x37: {  	[smem:$0x3FBA] =	sst s10  }
0x38: {  	s10 =	sld [smem:$0x3FBB]  }
0x39: {  	_ = 	snop;
	(pc) =	sbr.ind lr, $3  }
0x3a: {  	_ = 	snop  }
0x3b: {  	_ = 	snop  }
0x3c: {  	p2 =	seq.s32 s10, $0x1;
	s10 =	sld [smem:$0x3FBA]  }
0x3d: {  	_ =	shalt  }
0x3e: {  	_ =	shalt  }
0x3f: {  	_ =	shalt  }
0x40: {  	_ =	shalt  }
0x41: {  	_ =	shalt  }
0x42: {  	_ =	shalt  }
0x43: {  	_ =	shalt  }
0x44: {  	_ =	shalt  }
0x45: {  	_ =	shalt  }
0x46: {  	_ =	shalt  }
0x47: {  	_ =	shalt  }
0x48: {  	_ =	shalt  }
0x49: {  	_ =	shalt  }
0x4a: {  	_ =	shalt  }
0x4b: {  	_ =	shalt  }
0x4c: {  	_ =	shalt  }
0x4d: {  	_ =	shalt  }
0x4e: {  	_ =	shalt  }
0x4f: {  	_ =	shalt  }
0x50: {  	_ =	shalt  }
0x51: {  	_ =	shalt  }
0x52: {  	_ =	shalt  }
0x53: {  	_ =	shalt  }
0x54: {  	_ =	shalt  }
0x55: {  	_ =	shalt  }
0x56: {  	_ =	shalt  }
0x57: {  	_ =	shalt  }
0x58: {  	_ =	shalt  }
0x59: {  	_ =	shalt  }
0x5a: {  	_ =	shalt  }
0x5b: {  	_ =	shalt  }
0x5c: {  	_ =	shalt  }
0x5d: {  	_ =	shalt  }
0x5e: {  	_ =	shalt  }
0x5f: {  	_ =	shalt  }
0x60: {  	_ =	shalt  }
0x61: {  	_ =	shalt  }
0x62: {  	_ =	shalt  }
0x63: {  	_ =	shalt  }
0x64: {  	_ =	shalt  }
0x65: {  	_ =	shalt  }
0x66: {  	_ =	shalt  }
0x67: {  	_ =	shalt  }
0x68: {  	_ =	shalt  }
0x69: {  	_ =	shalt  }
0x6a: {  	_ =	shalt  }
0x6b: {  	_ =	shalt  }
0x6c: {  	_ =	shalt  }
0x6d: {  	_ =	shalt  }
0x6e: {  	_ =	shalt  }
0x6f: {  	_ =	shalt  }
0x70: {  	_ =	shalt  }
0x71: {  	_ =	shalt  }
0x72: {  	_ =	shalt  }
0x73: {  	_ =	shalt  }
0x74: {  	_ =	shalt  }
0x75: {  	_ =	shalt  }
0x76: {  	_ =	shalt  }
0x77: {  	_ =	shalt  }
0x78: {  	_ =	shalt  }
0x79: {  	_ =	shalt  }
0x7a: {  	_ =	shalt  }
0x7b: {  	_ =	shalt  }
0x7c: {  	_ =	shalt  }
0x7d: {  	_ =	shalt  }
0x7e: {  	_ =	shalt  }
0x7f: {  	_ =	shalt  }
0x80: {  	_ =	shalt  }
0x81: {  	_ =	shalt  }
0x82: {  	_ =	shalt  }
0x83: {  	_ =	shalt  }
0x84: {  	_ =	shalt  }
0x85: {  	_ =	shalt  }
0x86: {  	_ =	shalt  }
0x87: {  	_ =	shalt  }
.Lfunc_end0:
.L_simem_size_0:
called_computation_lowered:
.L_overlay_start_0:
0x88: {  	s0 =	sld [smem:$0x3FD9]  }
0x89: {  	s1 =	sld [smem:$0x3FFE];
	_ =	sdelay $0x3  }
0x8a: {  	s0 =	sadd.s32 s1, s0  }
0x8b: {  	[smem:$0x3FC6] =	sst s0  }
0x8c: {  	_ = 	snop  }
0x8d: {  	s0 =	sld [smem:$0x3FC9]  }
0x8e: {  	s16 =	sld [smem:$0x3FC8];
	(tm) =	ssettm $0x1  }
0x8f: {  	s2 =	sld [smem:$0x3FFB];
	_ =	sdelay $0x3  }
0x90: {  	_ =	strace s2  }
0x91: {  	s2 =	sld [smem:$0x3FFC];
	_ =	sdelay $0x3  }
0x92: {  	_ =	strace s2  }
0x93: {  	s2 =	sld [smem:$0x3FFD];
	_ =	sdelay $0x3  }
0x94: {  	_ =	strace s2  }
0x95: {  	_ =	strace $0x8FFFFFFF  }
0x96: {  	s17 =	sld [smem:$0x3FDB];
	_ =	sdelay $0x1  }
0x97: {  	s3 =	simm.s32 $_scs_section_size  }
0x98: {  	s4 =	simm.s32 $_size__tile_overlayer_lowered;
	s5 =	simm.s32 $_tile_overlayer_lowered  }
0x99: {  	s20 =	simm.s32 $0x1BFF;
	s19 =	sshll.u32 s5, $0x1;
	s2 =	sadd.s32 s3, s17  }
0x9a: {  	s6 =	simm.s32 $0x0;
	s18 =	sshll.u32 s4, $0x1;
	s4 =	sadd.s32 s19, s2  }
0x9b: {  	[timem:s6], [sflag:s20] =	dma.local [hbm:s4], s18  }
0x9c: {  	_ =	swait.ge [sflag:s20], s18  }
0x9d: {  	s3 =	ssub.s32 $0x0, s18;
	[sflag:s20] =	ssyncset.done $0x0  }
0x9e: {  	[sflag:s20] =	ssyncadd.s32 s3;
	_ =	sdelay $0x1  }
0x9f: {  	s21 =	simm.s32 $0x1B8B  }
0xa0: {  	_ =	swait.ge [sflag:s21], $0x1  }
0xa1: {  	[sflag:s21] =	ssyncset.done $0x0  }
0xa2: {  	s23 =	simm.s32 $0x1B8E;
	s22 =	sld [smem:$0x3FFE];
	[sflag:s21] =	ssyncadd.s32 $0xFFFFFFFF  }
0xa3: {  	s24 =	simm.s32 $execute0_lowered;
	[smem:$0x3FD2] =	sst s23  }
0xa4: {  	s4 =	sshll.u32 s24, $0x1;
	_ =	strace $0x80000046;
	[dreg:$0x1] =	wrdreg $0xFFFFFFFF  }
0xa5: {  	s25 =	simm.s32 $_size_execute0_lowered;
	s2 =	sadd.s32 s2, s4;
	[dreg:$0x0] =	wrdreg $0x0  }
0xa6: {  	s4 =	sshll.u32 s25, $0x1;
	[dreg:$0x2] =	wrdreg s2  }
0xa7: {  	[dreg:$0x3] =	wrdreg s4  }
0xa8: {  	[dreg:$0x4] =	wrdreg $0xC0  }
0xa9: {  	_ =	task [dreg:s6], $0x5FFFF  }
0xaa: {  	[dreg:$0x1] =	wrdreg $0xFFFFFFFF  }
0xab: {  	[dreg:$0x0] =	wrdreg $0x60  }
0xac: {  	[dreg:$0x2] =	wrdreg s0  }
0xad: {  	[dreg:$0x3] =	wrdreg s16  }
0xae: {  	[dreg:$0x4] =	wrdreg s22  }
0xaf: {  	[dreg:$0x5] =	wrdreg $0x17000  }
0xb0: {  	[dreg:$0x6] =	wrdreg $0x17280  }
0xb1: {  	[dreg:$0x7] =	wrdreg $0x17500  }
0xb2: {  	[dreg:$0x8] =	wrdreg $0x9  }
0xb3: {  	_ =	task.clear_ibuf [dreg:s6], $0x9FFFF;
	_ =	strace $0x90000046  }
0xb4: {  	s26 =	simm.s32 $0x9;
	_ =	strace $0x80000048  }
0xb5: {  	_ =	swait.ge [sflag:s26], $0x1  }
0xb6: {  	[sflag:s26] =	ssyncadd.s32 $0xFFFFFFFF  }
0xb7: {  	_ =	strace $0x90000048  }
0xb8: {  	_ =	sfence  }
0xb9: {  	s28 =	sld [smem:$0x0];
	_ =	sdelay $0x1  }
0xba: {  	s29 =	srdreg.scid  }
0xbb: {  	s30 =	sshll.u32 s29, $0xD;
	s31 =	sshrl.u32 s29, $0x2  }
0xbc: {  	s1 =	sand.u32 $0x1, s29;
	s2 =	sand.u32 $0x4000, s30;
	s0 =	sadd.s32 s31, s28  }
0xbd: {  	s1 =	sor.u32 s2, s1;
	s0 =	sshll.u32 s0, $0x11  }
0xbe: {  	s0 =	sor.u32 s0, s1  }
0xbf: {  	s0 =	sadd.s32 $0x8F2B, s0  }
0xc0: {  	[sflag:s0] =	ssyncadd.remote.s32 $0x1  }
0xc1: {  	_ =	sfence.sel $0xFFFF  }
0xc2: {  	[dreg:$0x0] =	wrdreg $0xFFFFFFFF;
	(pc) =	sbr.abs _section_cstart, $3  }
0xc3: {  	[dreg:$0x1] =	wrdreg $0xFFFFFFFF  }
0xc4: {  	_ =	task.clear_ibuf [dreg:s6], $0x2FFFF;
	_ =	strace $0x9FFFFFFF  }
0xc5: {  	(tm) =	ssettm $0x7FFFFFFF  }
tec
execute0_lowered:
.L_overlay_start_1:
0x0: {  	(tag) =	ssettag $0x1  }
0x1: {  	s1 =	rddreg [dreg:$0x0]  }
0x2: {  	s5 =	rddreg [dreg:$0x1]  }
0x3: {  	s10 =	rddreg [dreg:$0x2]  }
0x4: {  	s4 =	rddreg [dreg:$0x3]  }
0x5: {  	s3 =	rddreg [dreg:$0x4]  }
0x6: {  	s2 =	rddreg [dreg:$0x5]  }
0x7: {  	s0 =	rddreg [dreg:$0x6];
	_ =	strace $0x80000047;
	s6 =	simm.s32 $0x0  }
0x8: {  	[tilespmem:s6], [sflag:$0x1] =	stream.linear.gather [hbm4b:s5+s6], $0x280, $0x38;
	[tilespmem:$0x1760] =	vst v63  }
0x9: {  	s28 =	simm.s32 $0x500  }
0xa: {  	[tilespmem:s28], [sflag:$0x2] =	stream.linear.gather [hbm4b:s1+s6], $0x100, $0x38;
	[tilespmem:$0x1760] =	vst v63  }
0xb: {  	s30 =	simm.s32 $0x600;
	s31 =	simm.s32 $0x1;
	s29 =	sadd.s32 $0x600, s10  }
0xc: {  	[tilespmem:s30], [sflag:$0x3] =	stream.linear.gather [hbm4b:s29+s6], $0x700, $0x38;
	[tilespmem:$0x1760] =	vst v63  }
0xd: {  	_ =	swait.ge [sflag:s31], $0x280  }
0xe: {  	[sflag:s31] =	ssyncset.done $0x0  }
0xf: {  	s7 =	simm.s32 $0x0;
	[sflag:s31] =	ssyncadd.s32 $0xFFFFFD80  }
0x10: {  	v0 =	vld [tilespmem:s7+$0x0];
	_ =	sdelay $0x4  }
0x11: {  	(xrf1) =	vsort.ascd.msk.f32 $0xffff, v0, v0;
	_ =	sdelay $0x7  }
0x12: {  	s8 =	simm.s32 $0x10  }
0x13: {  	v1 =	vld [tilespmem:s8+$0x0];
	_ =	sdelay $0x1  }
0x14: {  	s6 =	simm.s32 $0x20  }
0x15: {  	v2 =	vld [tilespmem:s6+$0x0];
	_ =	sdelay $0x1  }
0x16: {  	v0, _, _ =	vpop (xrf1);
	(xrf1) =	vsort.ascd.msk.f32 $0xffff, v1, v1;
	_ =	sdelay $0x2  }
0x17: {  	(xrf1) =	vsort.ascd.msk.f32 $0xffff, v2, v2;
	_ =	sdelay $0x2  }
0x18: {  	s9 =	simm.s32 $0x30  }
0x19: {  	v1 =	vld [tilespmem:s9+$0x0];
	_ =	sdelay $0x1  }
0x1a: {  	v0 =	vadd.f32 $0.0e+00, v0;
	_ =	sdelay $0x1  }
0x1b: {  	s5 =	stileid.u32;
	s1 =	sadd.s32 $0x800, s10;
	s10 =	simm.s32 $0x100;
	v2 =	vshra.s32 v0, $0x1F  }
.LBB2_1:
0x1c: {  	s11 =	sshra.s32 s10, $0x2;
	p0 =	sne.s32 s10, $0x8C0;
	s10 =	sadd.s32 $0x40, s10;
	(xrf1) =	vsort.ascd.msk.f32 $0xffff, v1, v1;
	v3 =	vand.u32 $0x7FFFFFFF, v2  }
.Ltmp0:
0x1d: {  	v1 =	vld [tilespmem:s11+$0x0];
	v0 =	vxor.u32 v0, v3;
	(pc) =	sbr.rel @p0 .LBB2_1-.Ltmp0, $3  }
0x1e: {  	v2, _, _ =	vpop (xrf1);
	[tilespmem:s7+$0x280] =	vst v0;
	s7 =	smov.u32 s8;
	s8 =	smov.u32 s6;
	s6 =	smov.u32 s9  }
0x1f: {  	s9 =	smov.u32 s11;
	v0 =	vadd.f32 $0.0e+00, v2;
	_ =	sdelay $0x1  }
0x20: {  	v2 =	vshra.s32 v0, $0x1F  }
0x21: {  	(xrf1) =	vsort.ascd.msk.f32 $0xffff, v1, v1;
	_ =	sdelay $0xb  }
0x22: {  	v1, _, _ =	vpop (xrf1)  }
0x23: {  	v1 =	vadd.f32 $0.0e+00, v1;
	v3, _, _ =	vpop (xrf1)  }
0x24: {  	v3 =	vadd.f32 $0.0e+00, v3;
	v4, _, _ =	vpop (xrf1)  }
0x25: {  	v2 =	vand.u32 $0x7FFFFFFF, v2;
	v5 =	vshra.s32 v1, $0x1F;
	v4 =	vadd.f32 $0.0e+00, v4  }
0x26: {  	v0 =	vxor.u32 v0, v2;
	v2 =	vand.u32 $0x7FFFFFFF, v5;
	v5 =	vshra.s32 v3, $0x1F  }
0x27: {  	[tilespmem:s7+$0x280] =	vst v0;
	s7 =	sand.u32 $0xC, s5;
	v0 =	vxor.u32 v1, v2;
	v1 =	vand.u32 $0x7FFFFFFF, v5;
	v2 =	vshra.s32 v4, $0x1F  }
0x28: {  	s10 =	sadd.s32 $0x1C, s5;
	p0 =	seq.s32 s7, $0x4;
	[tilespmem:s8+$0x280] =	vst v0;
	s8 =	stileid.u32;
	v0 =	vxor.u32 v3, v1;
	v1 =	vand.u32 $0x7FFFFFFF, v2  }
0x29: {  	s8 =	smov.u32 @p0 s10;
	[tilespmem:s6+$0x280] =	vst v0;
	v0 =	vxor.u32 v4, v1  }
0x2a: {  	s11 =	simm.s32 $0x0;
	s6 =	sshll.u32 s8, $0x4;
	[tilespmem:s9+$0x280] =	vst v0  }
0x2b: {  	v2 =	vmov s11;
	v0 =	vld [tilespmem:s6+$0x0]  }
0x2c: {  	v1 =	vor.u32 $0x7, v2;
	_ =	sdelay $0x2  }
0x2d: {  	s9 =	sshll.u32 s5, $0x4  }
0x2e: {  	s13 =	simm.s32 $0x280;
	v3 =	vld [tilespmem:s9+$0x0];
	v0 =	vadd.f32 $0.0e+00, v0  }
0x2f: {  	s10 =	sor.u32 $0x10, s5;
	v4 =	vld.idx.msk [tilespmem:v1+s13+$0x0], $0xffff  }
0x30: {  	s12 =	sshll.u32 s10, $0x4;
	v1 =	vshra.s32 v0, $0x1F  }
0x31: {  	s14 =	simm.s32 $0x1;
	p0 =	sgt.u32 s8, $0x0;
	v5 =	vld [tilespmem:s12+$0x0];
	v1 =	vand.u32 $0x7FFFFFFF, v1  }
0x32: {  	s14 =	simm.s32 @!p0 $0x0;
	v0 =	vxor.u32 v0, v1  }
0x33: {  	v6 =	vadd.s32 s14, v0  }
0x34: {  	v3 =	vadd.f32 $0.0e+00, v3;
	v1 =	vimm.s32 $0x0;
	vm0 =	vlt.s32 v4, v6  }
0x35: {  	v10 =	vand.u32 $0x380, v2;
	v8 =	vsel vm0, $0x8, v1  }
0x36: {  	v5 =	vadd.f32 $0.0e+00, v5;
	v7 =	vshra.s32 v3, $0x1F;
	v8 =	vor.u32 s11, v8  }
0x37: {  	p0 =	sgt.u32 s5, $0x0;
	v9 =	vor.u32 $0x3, v10;
	v7 =	vand.u32 $0x7FFFFFFF, v7;
	s14 =	simm.s32 $0x1;
	v11 =	vand.u32 $0x78, v8  }
0x38: {  	v7 =	vxor.u32 v3, v7;
	v3 =	vshra.s32 v5, $0x1F;
	s14 =	simm.s32 @!p0 $0x0;
	v12 =	vor.u32 v11, v9  }
0x39: {  	v3 =	vand.u32 $0x7FFFFFFF, v3;
	p0 =	sgt.u32 s10, $0x0;
	v11 =	vadd.s32 s14, v7;
	s14 =	simm.s32 $0x1  }
0x3a: {  	v3 =	vxor.u32 v5, v3;
	s14 =	simm.s32 @!p0 $0x0;
	vm14 =	vlt.s32 v4, v11  }
0x3b: {  	v15 =	vadd.s32 s14, v3;
	v5 =	vsel vm14, $0x8, v1  }
0x3c: {  	vm15 =	vlt.s32 v4, v15;
	v5 =	vor.u32 s11, v5  }
0x3d: {  	v4 =	vsel vm15, $0x8, v1;
	v13 =	vand.u32 $0x78, v5;
	v12 =	vld.idx.msk [tilespmem:v12+s13+$0x0], $0xffff  }
0x3e: {  	v14 =	vor.u32 s11, v4;
	v4 =	vor.u32 v13, v9  }
0x3f: {  	v13 =	vand.u32 $0x78, v14  }
0x40: {  	v9 =	vor.u32 v13, v9;
	_ =	sdelay $0x1  }
0x41: {  	s30 =	simm.s32 $0x10;
	vm4 =	vlt.s32 v12, v6  }
0x42: {  	v12 =	vld.idx.msk [tilespmem:v4+s13+$0x0], $0xffff;
	v4 =	vmov s30;
	v13 =	vsel vm4, $0x4, v1  }
0x43: {  	v16 =	vor.u32 $0x7, v4;
	v8 =	vor.u32 v8, v13  }
0x44: {  	v9 =	vld.idx.msk [tilespmem:v9+s13+$0x0], $0xffff;
	v13 =	vor.u32 $0x1, v10;
	v17 =	vand.u32 $0x7C, v8  }
0x45: {  	v17 =	vor.u32 v17, v13;
	_ =	sdelay $0x1  }
0x46: {  	vm5 =	vlt.s32 v12, v11  }
0x47: {  	v12 =	vsel vm5, $0x4, v1;
	v18 =	vld.idx.msk [tilespmem:v16+s13+$0x0], $0xffff  }
0x48: {  	vm6 =	vlt.s32 v9, v15;
	v5 =	vor.u32 v12, v5  }
0x49: {  	s15 =	simm.s32 $0x1;
	p0 =	sgt.u32 s8, $0x1;
	v9 =	vsel vm6, $0x4, v1;
	v12 =	vand.u32 $0x7C, v5;
	v16 =	vld.idx.msk [tilespmem:v17+s13+$0x0], $0xffff  }
0x4a: {  	s15 =	simm.s32 @!p0 $0x0;
	v9 =	vor.u32 v14, v9;
	v14 =	vor.u32 v12, v13  }
0x4b: {  	v12 =	vadd.s32 s15, v0;
	v17 =	vand.u32 $0x7C, v9  }
0x4c: {  	v13 =	vor.u32 v17, v13;
	vm7 =	vlt.s32 v18, v12  }
0x4d: {  	v19 =	vsel vm7, $0x8, v1  }
0x4e: {  	p0 =	sgt.u32 s5, $0x1;
	s15 =	simm.s32 $0x1;
	v17 =	vand.u32 $0x380, v4;
	v19 =	vor.u32 s30, v19;
	vm8 =	vlt.s32 v16, v6  }
0x4f: {  	s15 =	simm.s32 @!p0 $0x0;
	v20 =	vor.u32 $0x3, v17;
	v14 =	vld.idx.msk [tilespmem:v14+s13+$0x0], $0xffff;
	v22 =	vand.u32 $0x78, v19;
	v21 =	vsel vm8, $0x2, v1  }
0x50: {  	p0 =	sgt.u32 s10, $0x1;
	v16 =	vadd.s32 s15, v7;
	s15 =	simm.s32 $0x1;
	v8 =	vor.u32 v21, v8;
	v21 =	vor.u32 v22, v20  }
0x51: {  	s15 =	simm.s32 @!p0 $0x0;
	vm9 =	vlt.s32 v18, v16;
	v22 =	vld.idx.msk [tilespmem:v13+s13+$0x0], $0xffff;
	v23 =	vand.u32 $0x7E, v8  }
0x52: {  	v13 =	vadd.s32 s15, v3;
	v24 =	vsel vm9, $0x8, v1;
	v23 =	vor.u32 v10, v23  }
0x53: {  	vm10 =	vlt.s32 v18, v13;
	v24 =	vor.u32 s30, v24  }
0x54: {  	v18 =	vsel vm10, $0x8, v1;
	v25 =	vand.u32 $0x78, v24;
	vm11 =	vlt.s32 v14, v11  }
0x55: {  	v14 =	vor.u32 s30, v18;
	v18 =	vor.u32 v25, v20;
	v25 =	vsel vm11, $0x2, v1;
	v21 =	vld.idx.msk [tilespmem:v21+s13+$0x0], $0xffff  }
0x56: {  	v26 =	vand.u32 $0x78, v14;
	vm12 =	vlt.s32 v22, v15;
	v22 =	vor.u32 v25, v5  }
0x57: {  	v20 =	vor.u32 v26, v20;
	v5 =	vsel vm12, $0x2, v1;
	v25 =	vand.u32 $0x7E, v22;
	v23 =	vld.idx.msk [tilespmem:v23+s13+$0x0], $0xffff  }
0x58: {  	v9 =	vor.u32 v5, v9;
	v25 =	vor.u32 v10, v25  }
0x59: {  	v5 =	vand.u32 $0x7E, v9  }
0x5a: {  	v18 =	vld.idx.msk [tilespmem:v18+s13+$0x0], $0xffff;
	v26 =	vor.u32 v10, v5;
	vm13 =	vlt.s32 v21, v12  }
0x5b: {  	s31 =	simm.s32 $0x20;
	v27 =	vor.u32 $0x1, v17;
	v21 =	vsel vm13, $0x4, v1  }
0x5c: {  	v5 =	vmov s31;
	v20 =	vld.idx.msk [tilespmem:v20+s13+$0x0], $0xffff;
	vm14 =	vlt.s32 v23, v6;
	v21 =	vor.u32 v19, v21  }
0x5d: {  	p0 =	sgt.u32 s5, $0x2;
	s15 =	simm.s32 $0x1;
	v23 =	vor.u32 $0x7, v5;
	v25 =	vld.idx.msk [tilespmem:v25+s13+$0x0], $0xffff;
	v19 =	vsel vm14, $0x1, v1;
	v28 =	vand.u32 $0x7C, v21  }
0x5e: {  	s16 =	simm.s32 $0x1;
	s15 =	simm.s32 @!p0 $0x0;
	p0 =	sgt.u32 s10, $0x2;
	v29 =	vor.u32 v19, v8;
	v8 =	vor.u32 v28, v27  }
0x5f: {  	s16 =	simm.s32 @!p0 $0x0;
	vm15 =	vlt.s32 v18, v16;
	v26 =	vld.idx.msk [tilespmem:v26+s13+$0x0], $0xffff;
	v28 =	vand.u32 $0x7F, v29  }
0x60: {  	v18 =	vadd.s32 s16, v3;
	v30 =	vsel vm15, $0x4, v1;
	v28 =	vor.u32 v10, v28  }
0x61: {  	v19 =	vadd.s32 s15, v7;
	vm4 =	vlt.s32 v20, v13;
	v24 =	vor.u32 v30, v24  }
0x62: {  	v20 =	vsel vm4, $0x4, v1;
	v30 =	vand.u32 $0x7C, v24;
	v23 =	vld.idx.msk [tilespmem:v23+s13+$0x0], $0xffff;
	vm5 =	vlt.s32 v25, v11  }
0x63: {  	v14 =	vor.u32 v14, v20;
	v25 =	vor.u32 v30, v27;
	v30 =	vld.idx.msk [tilespmem:v8+s13+$0x0], $0xffff;
	v8 =	vsel vm5, $0x1, v1  }
0x64: {  	p0 =	sgt.u32 s8, $0x2;
	s15 =	simm.s32 $0x1;
	v20 =	vand.u32 $0x7C, v14;
	vm6 =	vlt.s32 v26, v15;
	v31 =	vor.u32 v8, v22  }
0x65: {  	s15 =	simm.s32 @!p0 $0x0;
	v22 =	vor.u32 v20, v27;
	v8 =	vsel vm6, $0x1, v1;
	v26 =	vld.idx.msk [tilespmem:v28+s13+$0x0], $0xffff;
	v20 =	vand.u32 $0x7F, v31  }
0x66: {  	v8 =	vor.u32 v8, v9;
	v9 =	vadd.s32 s15, v0;
	v27 =	vor.u32 v10, v20  }
0x67: {  	v28 =	vand.u32 $0x7F, v8;
	vm7 =	vlt.s32 v23, v19;
	vm1 =	vlt.s32 v23, v9  }
0x68: {  	v20 =	vand.u32 $0x380, v5;
	v25 =	vld.idx.msk [tilespmem:v25+s13+$0x0], $0xffff;
	vm10 =	vlt.s32 v23, v18;
	v32 =	vsel vm1, $0x8, v1  }
0x69: {  	v10 =	vor.u32 v10, v28;
	vm8 =	vlt.s32 v30, v12;
	v30 =	vor.u32 $0x3, v20  }
0x6a: {  	v34 =	vor.u32 s31, v32;
	v62 =	vsel vm8, $0x2, v1;
	v22 =	vld.idx.msk [tilespmem:v22+s13+$0x0], $0xffff;
	vm9 =	vlt.s32 v26, v6  }
0x6b: {  	v6 =	vand.u32 $0x78, v34;
	v21 =	vor.u32 v62, v21;
	v26 =	vsel vm9, $0x1, v1  }
0x6c: {  	v63 =	vor.u32 v6, v30;
	v6 =	vand.u32 $0x7E, v21;
	v26 =	vsub.s32 v26, v2  }
0x6d: {  	p5 =	seq.s32 s8, $0x0;
	v33 =	vld.idx.msk [tilespmem:v27+s13+$0x0], $0xffff;
	vm11 =	vlt.s32 v25, v16;
	v23 =	vor.u32 v17, v6;
	v6 =	vadd.s32 v29, v26  }
0x6e: {  	v26 =	vsel vm7, $0x8, v1;
	v29 =	vsel vm10, $0x8, v1;
	v6 =	vpsel p5, $0x0, v6  }
0x6f: {  	v27 =	vor.u32 s31, v26;
	v26 =	vor.u32 s31, v29;
	vm12 =	vlt.s32 v22, v13  }
0x70: {  	v22 =	vsel vm11, $0x2, v1;
	v6 =	vadd.s32 v1, v6;
	v29 =	vand.u32 $0x78, v27  }
0x71: {  	v35 =	vand.u32 $0x78, v26;
	v24 =	vor.u32 v22, v24;
	v25 =	vor.u32 v29, v30;
	v29 =	vld.idx.msk [tilespmem:v63+s13+$0x0], $0xffff  }
0x72: {  	v35 =	vor.u32 v35, v30;
	v30 =	vsel vm12, $0x2, v1;
	vm13 =	vlt.s32 v33, v11;
	v23 =	vld.idx.msk [tilespmem:v23+s13+$0x0], $0xffff  }
0x73: {  	v11 =	vand.u32 $0x7E, v24;
	v22 =	vor.u32 v30, v14;
	v14 =	vsel vm13, $0x1, v1  }
0x74: {  	v32 =	vor.u32 v17, v11;
	v28 =	vand.u32 $0x7E, v22;
	v11 =	vsub.s32 v14, v2  }
0x75: {  	p6 =	seq.s32 s5, $0x0;
	s17 =	simm.s32 $0x30;
	v30 =	vor.u32 v17, v28;
	v11 =	vadd.s32 v31, v11;
	v31 =	vld.idx.msk [tilespmem:v10+s13+$0x0], $0xffff;
	v10 =	vimm.s32 $0x0  }
0x76: {  	v33 =	vpsel p6, $0x0, v11;
	v11 =	vmov s17;
	vm14 =	vlt.s32 v29, v9  }
0x77: {  	s18 =	simm.s32 $0x1;
	s19 =	simm.s32 $0x4;
	v14 =	vld.idx.msk [tilespmem:v25+s13+$0x0], $0xffff;
	v28 =	vor.u32 $0x7, v11;
	v25 =	vsel vm14, $0x4, v1;
	vm15 =	vlt.s32 v23, v12  }
0x78: {  	s14 =	simm.s32 $0x2;
	s16 =	simm.s32 $0x1;
	s15 =	simm.s32 $0x3;
	v35 =	vld.idx.msk [tilespmem:v35+s13+$0x0], $0xffff;
	v23 =	vimm.s32 $0x0;
	v25 =	vor.u32 v34, v25;
	v36 =	vsel vm15, $0x1, v1  }
.LBB2_3:
0x79: {  	p1 =	slt.u32 s15, s5;
	v29 =	vor.u32 $0x1, v20;
	s20 =	simm.s32 $0x1  }
0x7a: {  	p0 =	sne.s32 s19, $0x23;
	v34 =	vand.u32 $0x7C, v25;
	v32 =	vld.idx.msk [tilespmem:v32+s13+$0x0], $0xffff;
	v36 =	vor.u32 v36, v21;
	v23 =	vadd.s32 v23, v33;
	s20 =	simm.s32 @!p1 $0x0  }
0x7b: {  	p1 =	slt.u32 s15, s10;
	v21 =	vor.u32 v34, v29;
	v30 =	vld.idx.msk [tilespmem:v30+s13+$0x0], $0xffff;
	v34 =	vand.u32 $0x7F, v36;
	v33 =	vadd.s32 s20, v7;
	s20 =	simm.s32 $0x1  }
0x7c: {  	vm0 =	vlt.s32 v14, v19;
	v14 =	vor.u32 v17, v34;
	s20 =	simm.s32 @!p1 $0x0  }
0x7d: {  	v37 =	vsel vm0, $0x4, v1;
	vm0 =	vlt.s32 v35, v18;
	v34 =	vadd.s32 s20, v3  }
0x7e: {  	v35 =	vor.u32 v37, v27;
	v27 =	vsel vm0, $0x4, v1;
	vm0 =	vlt.s32 v31, v15;
	v15 =	vmovc v13;
	v13 =	vmovc v18  }
0x7f: {  	v31 =	vand.u32 $0x7C, v35;
	v37 =	vor.u32 v26, v27;
	v26 =	vsel vm0, $0x1, v1;
	v18 =	vmovc v34;
	v28 =	vld.idx.msk [tilespmem:v28+s13+$0x0], $0xffff  }
0x80: {  	v27 =	vor.u32 v31, v29;
	v31 =	vand.u32 $0x7C, v37;
	vm0 =	vlt.s32 v32, v16;
	v21 =	vld.idx.msk [tilespmem:v21+s13+$0x0], $0xffff  }
0x81: {  	v29 =	vor.u32 v31, v29;
	v31 =	vsel vm0, $0x1, v1;
	vm0 =	vlt.s32 v30, v15;
	v14 =	vld.idx.msk [tilespmem:v14+s13+$0x0], $0xffff  }
0x82: {  	p1 =	slt.u32 s15, s8;
	s20 =	simm.s32 $0x1;
	v26 =	vsub.s32 v26, v2;
	v2 =	vmovc v4;
	v4 =	vmovc v5;
	v31 =	vor.u32 v31, v24;
	v24 =	vsel vm0, $0x1, v1  }
0x83: {  	s20 =	simm.s32 @!p1 $0x0;
	v5 =	vmovc v11;
	v34 =	vadd.s32 v8, v26;
	v30 =	vand.u32 $0x7F, v31;
	v8 =	vor.u32 v24, v22  }
0x84: {  	v11 =	vadd.s32 s20, v0;
	v22 =	vor.u32 v17, v30;
	v24 =	vand.u32 $0x7F, v8  }
0x85: {  	v30 =	vand.u32 $0x380, v5;
	vm0 =	vlt.s32 v28, v33;
	vm1 =	vlt.s32 v28, v11;
	v32 =	vld.idx.msk [tilespmem:v27+s13+$0x0], $0xffff  }
0x86: {  	v38 =	vor.u32 $0x3, v30;
	v26 =	vsel vm1, $0x8, v1;
	vm1 =	vlt.s32 v21, v9;
	v29 =	vld.idx.msk [tilespmem:v29+s13+$0x0], $0xffff  }
0x87: {  	v39 =	vor.u32 s17, v26;
	v21 =	vsel vm1, $0x2, v1;
	vm1 =	vlt.s32 v14, v12;
	v12 =	vmovc v9;
	v9 =	vmovc v11  }
0x88: {  	v11 =	vand.u32 $0x78, v39;
	v21 =	vor.u32 v21, v25;
	v14 =	vsel vm1, $0x1, v1  }
0x89: {  	v11 =	vor.u32 v11, v38;
	v25 =	vand.u32 $0x7E, v21;
	v14 =	vsub.s32 v14, v2;
	v40 =	vld.idx.msk [tilespmem:v22+s13+$0x0], $0xffff  }
0x8a: {  	p1 =	seq.s32 s8, s16;
	vm1 =	vlt.s32 v28, v18;
	v22 =	vor.u32 v20, v25;
	v14 =	vadd.s32 v36, v14  }
0x8b: {  	v26 =	vsel vm1, $0x8, v1;
	v25 =	vsel vm0, $0x8, v1;
	v14 =	vpsel p1, $0x0, v14  }
0x8c: {  	v26 =	vor.u32 s17, v26;
	v27 =	vor.u32 s17, v25;
	v6 =	vadd.s32 v6, v14  }
0x8d: {  	v25 =	vand.u32 $0x78, v26;
	vm0 =	vlt.s32 v32, v19;
	v14 =	vand.u32 $0x78, v27  }
0x8e: {  	v25 =	vor.u32 v25, v38;
	vm1 =	vlt.s32 v29, v13;
	v14 =	vor.u32 v14, v38;
	v11 =	vld.idx.msk [tilespmem:v11+s13+$0x0], $0xffff  }
0x8f: {  	v28 =	vsel vm0, $0x2, v1;
	v29 =	vsel vm1, $0x2, v1;
	v38 =	vor.u32 v17, v24;
	v17 =	vmovc v20;
	v20 =	vmovc v30;
	v36 =	vld.idx.msk [tilespmem:v22+s13+$0x0], $0xffff  }
0x90: {  	v24 =	vor.u32 v28, v35;
	vm0 =	vlt.s32 v40, v16;
	v16 =	vmovc v19;
	v22 =	vor.u32 v29, v37  }
0x91: {  	v28 =	vand.u32 $0x7E, v24;
	v19 =	vmovc v33;
	v35 =	vsel vm0, $0x1, v1;
	v29 =	vand.u32 $0x7E, v22  }
.Ltmp1:
0x92: {  	p1 =	seq.s32 s10, s11;
	s11 =	smov.u32 s16;
	v32 =	vor.u32 v17, v28;
	v28 =	vsub.s32 v35, v2;
	v30 =	vor.u32 v17, v29;
	(pc) =	sbr.rel @p0 .LBB2_3-.Ltmp1, $4  }
0x93: {  	s16 =	smov.u32 s14;
	s14 =	smov.u32 s15;
	p2 =	seq.s32 s5, s11;
	v28 =	vadd.s32 v31, v28;
	v29 =	vpsel p1, $0x0, v34;
	v14 =	vld.idx.msk [tilespmem:v14+s13+$0x0], $0xffff  }
0x94: {  	s17 =	sadd.s32 $0x10, s17;
	s15 =	smov.u32 s19;
	v33 =	vpsel p2, $0x0, v28;
	v10 =	vadd.s32 v10, v29;
	vm0 =	vlt.s32 v11, v9;
	v35 =	vld.idx.msk [tilespmem:v25+s13+$0x0], $0xffff  }
0x95: {  	v11 =	vmov s17;
	v25 =	vsel vm0, $0x4, v1;
	vm0 =	vlt.s32 v36, v12;
	v31 =	vld.idx.msk [tilespmem:v38+s13+$0x0], $0xffff  }
0x96: {  	s19 =	sadd.s32 $0x1, s19;
	v28 =	vor.u32 $0x7, v11;
	v25 =	vor.u32 v39, v25;
	v36 =	vsel vm0, $0x1, v1  }
0x97: {  	_ =	sdelay $0x3  }
0x98: {  	v37 =	vld.idx.msk [tilespmem:v28+s13+$0x0], $0xffff;
	_ =	sdelay $0x1  }
0x99: {  	p0 =	slt.u32 s15, s5;
	s19 =	simm.s32 $0x1  }
0x9a: {  	s19 =	simm.s32 @!p0 $0x0  }
0x9b: {  	v29 =	vadd.s32 s19, v7  }
0x9c: {  	vm0 =	vlt.s32 v37, v29  }
0x9d: {  	v34 =	vsel vm0, $0x8, v1  }
0x9e: {  	v28 =	vand.u32 $0x380, v11;
	v38 =	vor.u32 s17, v34  }
0x9f: {  	v39 =	vor.u32 $0x3, v28;
	vm0 =	vlt.s32 v14, v19;
	v34 =	vand.u32 $0x78, v38  }
0xa0: {  	v40 =	vsel vm0, $0x4, v1;
	v34 =	vor.u32 v34, v39  }
0xa1: {  	p0 =	slt.u32 s15, s8;
	v27 =	vor.u32 v40, v27  }
0xa2: {  	v41 =	vor.u32 $0x1, v20;
	s18 =	simm.s32 @!p0 $0x0;
	v42 =	vand.u32 $0x7C, v27  }
0xa3: {  	p0 =	slt.u32 s15, s10;
	s19 =	simm.s32 $0x1;
	v14 =	vadd.s32 s18, v0;
	v42 =	vor.u32 v42, v41  }
0xa4: {  	s19 =	simm.s32 @!p0 $0x0;
	vm0 =	vlt.s32 v37, v14  }
0xa5: {  	v43 =	vsel vm0, $0x8, v1;
	v63 =	vld.idx.msk [tilespmem:v34+s13+$0x0], $0xffff;
	v34 =	vadd.s32 s19, v3  }
0xa6: {  	v43 =	vor.u32 s17, v43;
	vm0 =	vlt.s32 v37, v34  }
0xa7: {  	v48 =	vand.u32 $0x78, v43;
	v44 =	vsel vm0, $0x8, v1  }
0xa8: {  	v49 =	vor.u32 v48, v39;
	v42 =	vld.idx.msk [tilespmem:v42+s13+$0x0], $0xffff;
	vm0 =	vlt.s32 v35, v18;
	v50 =	vor.u32 s17, v44  }
0xa9: {  	v51 =	vsel vm0, $0x4, v1;
	v45 =	vand.u32 $0x78, v50  }
0xaa: {  	v26 =	vor.u32 v26, v51;
	vm0 =	vlt.s32 v63, v29;
	v39 =	vor.u32 v45, v39  }
0xab: {  	v46 =	vand.u32 $0x7C, v25;
	v44 =	vand.u32 $0x7C, v26;
	v40 =	vsel vm0, $0x4, v1  }
0xac: {  	v53 =	vor.u32 $0x1, v28;
	v52 =	vor.u32 v44, v41;
	v38 =	vor.u32 v40, v38  }
0xad: {  	v35 =	vld.idx.msk [tilespmem:v49+s13+$0x0], $0xffff;
	vm0 =	vlt.s32 v42, v19;
	v41 =	vor.u32 v46, v41;
	v54 =	vand.u32 $0x7C, v38  }
0xae: {  	v42 =	vsel vm0, $0x2, v1;
	v45 =	vor.u32 v54, v53  }
0xaf: {  	v55 =	vor.u32 v42, v27;
	v39 =	vld.idx.msk [tilespmem:v39+s13+$0x0], $0xffff  }
0xb0: {  	v42 =	vand.u32 $0x7E, v55  }
0xb1: {  	v42 =	vor.u32 v20, v42;
	v40 =	vld.idx.msk [tilespmem:v52+s13+$0x0], $0xffff  }
0xb2: {  	vm0 =	vlt.s32 v35, v14;
	v41 =	vld.idx.msk [tilespmem:v41+s13+$0x0], $0xffff  }
0xb3: {  	v21 =	vor.u32 v36, v21;
	v23 =	vadd.s32 v23, v33;
	v57 =	vsel vm0, $0x4, v1;
	v27 =	vld.idx.msk [tilespmem:v45+s13+$0x0], $0xffff  }
0xb4: {  	v56 =	vand.u32 $0x7F, v21;
	v43 =	vor.u32 v43, v57;
	vm0 =	vlt.s32 v39, v34  }
0xb5: {  	v32 =	vld.idx.msk [tilespmem:v32+s13+$0x0], $0xffff;
	v35 =	vor.u32 v17, v56;
	v58 =	vand.u32 $0x7C, v43;
	v39 =	vsel vm0, $0x4, v1  }
0xb6: {  	v33 =	vor.u32 v58, v53;
	v42 =	vld.idx.msk [tilespmem:v42+s13+$0x0], $0xffff;
	vm0 =	vlt.s32 v40, v18;
	v37 =	vor.u32 v50, v39  }
0xb7: {  	vm1 =	vlt.s32 v41, v9;
	v59 =	vsel vm0, $0x2, v1;
	v60 =	vand.u32 $0x7C, v37  }
0xb8: {  	v26 =	vor.u32 v59, v26;
	v59 =	vbroadcast v7, $0xB;
	vm0 =	vlt.s32 v27, v29  }
0xb9: {  	v27 =	vld.idx.msk [tilespmem:v30+s13+$0x0], $0xffff;
	v30 =	vor.u32 v60, v53;
	v62 =	vand.u32 $0x7E, v26;
	v60 =	vbroadcast v7, $0xC  }
0xba: {  	v61 =	vsel vm0, $0x2, v1;
	vm0 =	vlt.s32 v32, v16;
	v63 =	vor.u32 v20, v62  }
0xbb: {  	vm2 =	vlt.s32 v42, v19;
	v38 =	vor.u32 v61, v38;
	v44 =	vsel vm0, $0x1, v1  }
0xbc: {  	v33 =	vld.idx.msk [tilespmem:v33+s13+$0x0], $0xffff;
	vm0 =	vlt.s32 v31, v15;
	v46 =	vsel vm2, $0x1, v1;
	v39 =	vand.u32 $0x7E, v38  }
0xbd: {  	v52 =	vld.idx.msk [tilespmem:v35+s13+$0x0], $0xffff;
	v15 =	vor.u32 v44, v24;
	v24 =	vsel vm1, $0x2, v1;
	v35 =	vsel vm0, $0x1, v1  }
0xbe: {  	v39 =	vor.u32 v28, v39;
	v24 =	vor.u32 v24, v25;
	v2 =	vsub.s32 v35, v2  }
0xbf: {  	vm1 =	vlt.s32 v27, v13;
	v27 =	vand.u32 $0x7F, v15;
	v25 =	vld.idx.msk [tilespmem:v30+s13+$0x0], $0xffff;
	v2 =	vadd.s32 v8, v2  }
0xc0: {  	v30 =	vor.u32 v17, v27;
	v27 =	vand.u32 $0x7E, v24;
	v31 =	vsel vm1, $0x1, v1;
	v32 =	vld.idx.msk [tilespmem:v63+s13+$0x0], $0xffff  }
0xc1: {  	p1 =	seq.s32 s10, s11;
	vm1 =	vlt.s32 v33, v14;
	v63 =	vbroadcast v7, $0xD;
	v45 =	vor.u32 v20, v27  }
0xc2: {  	v2 =	vpsel p1, $0x0, v2;
	v27 =	vor.u32 v31, v22;
	v22 =	vor.u32 v46, v55  }
0xc3: {  	v48 =	vsel vm1, $0x2, v1;
	v47 =	vand.u32 $0x7F, v27;
	v36 =	vand.u32 $0x7F, v22;
	v31 =	vld.idx.msk [tilespmem:v39+s13+$0x0], $0xffff  }
0xc4: {  	v49 =	vor.u32 v48, v43;
	v36 =	vor.u32 v20, v36;
	vm1 =	vlt.s32 v25, v34  }
0xc5: {  	v17 =	vor.u32 v17, v47;
	v25 =	vld.idx.msk [tilespmem:v30+s13+$0x0], $0xffff;
	v50 =	vsel vm1, $0x2, v1;
	vm1 =	vlt.s32 v32, v18  }
0xc6: {  	v30 =	vand.u32 $0x7E, v49;
	v51 =	vld.idx.msk [tilespmem:v45+s13+$0x0], $0xffff;
	v33 =	vor.u32 v50, v37;
	v32 =	vsel vm1, $0x1, v1  }
0xc7: {  	v30 =	vor.u32 v28, v30;
	v53 =	vand.u32 $0x7E, v33;
	v32 =	vor.u32 v32, v26  }
0xc8: {  	vm1 =	vlt.s32 v31, v29;
	v26 =	vor.u32 v28, v53;
	v54 =	vand.u32 $0x7F, v32  }
0xc9: {  	v36 =	vld.idx.msk [tilespmem:v36+s13+$0x0], $0xffff;
	v53 =	vbroadcast v7, $0xA;
	v31 =	vsel vm1, $0x1, v1;
	vm1 =	vlt.s32 v52, v12  }
0xca: {  	v31 =	vor.u32 v31, v38;
	vm0 =	vlt.s32 v25, v16;
	v16 =	vld.idx.msk [tilespmem:v17+s13+$0x0], $0xffff;
	v17 =	vor.u32 v20, v54  }
0xcb: {  	v37 =	vsel vm1, $0x1, v1;
	v55 =	vsel vm0, $0x1, v1;
	vm0 =	vlt.s32 v51, v9  }
0xcc: {  	v25 =	vand.u32 $0x7F, v31;
	v30 =	vld.idx.msk [tilespmem:v30+s13+$0x0], $0xffff;
	v12 =	vsub.s32 v55, v4;
	v56 =	vsel vm0, $0x1, v1  }
0xcd: {  	p4 =	seq.s32 s5, s16;
	v25 =	vor.u32 v28, v25;
	v12 =	vadd.s32 v15, v12;
	v15 =	vor.u32 v56, v24  }
0xce: {  	v24 =	vld.idx.msk [tilespmem:v26+s13+$0x0], $0xffff;
	vm0 =	vlt.s32 v36, v19;
	v12 =	vpsel p4, $0x0, v12;
	v26 =	vand.u32 $0x7F, v15  }
0xcf: {  	v19 =	vsel vm0, $0x1, v1;
	v12 =	vadd.s32 v23, v12;
	v40 =	vor.u32 v20, v26  }
0xd0: {  	vm0 =	vlt.s32 v16, v13;
	v13 =	vsub.s32 v19, v5;
	v26 =	vbroadcast v7, $0x6  }
0xd1: {  	p5 =	seq.s32 s5, s14;
	v17 =	vld.idx.msk [tilespmem:v17+s13+$0x0], $0xffff;
	vm1 =	vlt.s32 v30, v14;
	v39 =	vsel vm0, $0x1, v1;
	v13 =	vadd.s32 v22, v13  }
0xd2: {  	v22 =	vbroadcast v7, $0x2;
	v16 =	vld.idx.msk [tilespmem:v25+s13+$0x0], $0xffff;
	v19 =	vsel vm1, $0x1, v1;
	v20 =	vpsel p5, $0x0, v13  }
0xd3: {  	vm1 =	vcmask $0x700;
	v13 =	vor.u32 v19, v49;
	vm0 =	vlt.s32 v24, v34  }
0xd4: {  	v41 =	vadd.s32 v12, v20;
	v24 =	vbroadcast v7, $0x4;
	v19 =	vand.u32 $0x7F, v13  }
0xd5: {  	v49 =	vlaneseq.u32;
	v12 =	vsel vm0, $0x1, v1;
	v42 =	vor.u32 v28, v19  }
0xd6: {  	vm0 =	vlt.s32 v17, v18;
	v36 =	vor.u32 v12, v33;
	v33 =	vimm.s32 $0x1  }
0xd7: {  	v18 =	vbroadcast v7, $0x0;
	v38 =	vsel vm0, $0x1, v1;
	vm0 =	vlt.s32 v16, v29  }
0xd8: {  	v19 =	vbroadcast v7, $0x1;
	v16 =	vsel vm0, $0x1, v1;
	vm0 =	vcmask $0x300  }
0xd9: {  	v12 =	vand.u32 $0x7F, v36;
	v17 =	vsub.s32 v16, v11;
	v16 =	vsel vm0, $0x0, v33  }
0xda: {  	v43 =	vor.u32 v28, v12;
	v44 =	vadd.s32 v31, v17;
	v12 =	vadd.s32 v16, v7  }
0xdb: {  	v17 =	vsel vm1, $0x0, v33;
	vm1 =	vcmask $0xB00;
	vm0 =	vlt.s32 v18, v12  }
0xdc: {  	v12 =	vimm.s32 $0x0;
	v20 =	vadd.s32 v17, v7;
	v18 =	vsel vm1, $0x0, v33  }
0xdd: {  	v28 =	vsel vm0, $0x1, v12;
	vm0 =	vlt.s32 v19, v20;
	v19 =	vadd.s32 v18, v7  }
0xde: {  	vm1 =	vcmask $0xF00;
	v29 =	vsel vm0, $0x1, v12;
	vm0 =	vlt.s32 v22, v19  }
0xdf: {  	v19 =	vsel vm1, $0x0, v33;
	v22 =	vbroadcast v7, $0x3;
	vm1 =	vcmask $0x1300  }
0xe0: {  	v31 =	vbroadcast v7, $0x8;
	v23 =	vadd.s32 v19, v7;
	v20 =	vsel vm1, $0x0, v33  }
0xe1: {  	v57 =	vsel vm0, $0x1, v12;
	vm1 =	vcmask $0x1700;
	vm0 =	vlt.s32 v22, v23  }
0xe2: {  	v22 =	vadd.s32 v20, v7;
	v23 =	vsel vm1, $0x0, v33;
	vm1 =	vcmask $0x1B00  }
0xe3: {  	v58 =	vsel vm0, $0x1, v12;
	vm0 =	vlt.s32 v24, v22;
	v24 =	vbroadcast v7, $0x5  }
0xe4: {  	v28 =	vadd.s32 v28, v29;
	v25 =	vadd.s32 v23, v7;
	v22 =	vsel vm1, $0x0, v33  }
0xe5: {  	vm1 =	vcmask $0x2300;
	v47 =	vsel vm0, $0x1, v12;
	vm0 =	vlt.s32 v24, v25  }
0xe6: {  	v24 =	vadd.s32 v22, v7;
	v25 =	vbroadcast v7, $0x7;
	v48 =	vsel vm0, $0x1, v12  }
0xe7: {  	vm0 =	vlt.s32 v26, v24;
	v26 =	vshrl.u32 v49, $0x3;
	v24 =	vsel vm1, $0x0, v33  }
0xe8: {  	vm1 =	vcmask $0x2700;
	v30 =	vadd.s32 v26, v7;
	v50 =	vsel vm0, $0x1, v12  }
0xe9: {  	vm0 =	vlt.s32 v25, v30;
	v25 =	vadd.s32 v24, v7;
	v30 =	vsel vm1, $0x0, v33  }
0xea: {  	v51 =	vsel vm0, $0x1, v12;
	vm0 =	vlt.s32 v31, v25;
	v31 =	vbroadcast v7, $0x9  }
0xeb: {  	v28 =	vadd.s32 v57, v28;
	vm1 =	vcmask $0x2B00;
	v52 =	vadd.s32 v30, v7  }
0xec: {  	v25 =	vsel vm1, $0x0, v33;
	v54 =	vsel vm0, $0x1, v12;
	vm0 =	vlt.s32 v31, v52  }
0xed: {  	vm1 =	vcmask $0x2F00;
	v31 =	vadd.s32 v25, v7;
	v52 =	vsel vm0, $0x1, v12  }
0xee: {  	vm0 =	vlt.s32 v53, v31;
	v31 =	vsel vm1, $0x0, v33;
	vm1 =	vcmask $0x3300  }
0xef: {  	v53 =	vadd.s32 v16, v3;
	v55 =	vsel vm0, $0x1, v12;
	v29 =	vadd.s32 v31, v7  }
0xf0: {  	vm0 =	vlt.s32 v59, v29;
	v29 =	vadd.s32 v58, v28;
	v28 =	vsel vm1, $0x0, v33  }
0xf1: {  	vm1 =	vcmask $0x3700;
	v59 =	vbroadcast v7, $0xE;
	v29 =	vadd.s32 v47, v29  }
0xf2: {  	v46 =	vsel vm0, $0x1, v12;
	v61 =	vadd.s32 v28, v7;
	v29 =	vadd.s32 v48, v29  }
0xf3: {  	p6 =	seq.s32 s5, s15;
	vm0 =	vlt.s32 v60, v61;
	v62 =	vadd.s32 v50, v29;
	v29 =	vsel vm1, $0x0, v33  }
0xf4: {  	v56 =	vsel vm0, $0x1, v12;
	vm1 =	vcmask $0x3B00;
	v50 =	vpsel p6, $0x0, v44  }
0xf5: {  	v45 =	vadd.s32 v51, v62;
	v57 =	vadd.s32 v29, v7;
	v33 =	vsel vm1, $0x0, v33  }
0xf6: {  	v62 =	vbroadcast v7, $0xF;
	v41 =	vadd.s32 v41, v50;
	v45 =	vadd.s32 v54, v45  }
0xf7: {  	v43 =	vld.idx.msk [tilespmem:v43+s13+$0x0], $0xffff;
	vm0 =	vlt.s32 v63, v57;
	v61 =	vadd.s32 v33, v7;
	v58 =	vadd.s32 v52, v45  }
0xf8: {  	s23 =	simm.s32 $0x2;
	v51 =	vld.idx.msk [tilespmem:v40+s13+$0x0], $0xffff;
	v54 =	vbroadcast v3, $0x1;
	v57 =	vadd.s32 v19, v3;
	v60 =	vadd.s32 v55, v58  }
0xf9: {  	v40 =	vld.idx.msk [tilespmem:v42+s13+$0x0], $0xffff;
	_ =	swait.ge [sflag:s23], $0x100;
	v63 =	vsel vm0, $0x1, v12;
	vm0 =	vlt.s32 v59, v61;
	v46 =	vadd.s32 v46, v60  }
0xfa: {  	[sflag:s23] =	ssyncset.done $0x0;
	v59 =	vbroadcast v3, $0x5;
	v61 =	vadd.s32 v22, v3;
	v48 =	vadd.s32 v56, v46  }
0xfb: {  	s24 =	simm.s32 $0x3;
	[sflag:s23] =	ssyncadd.s32 $0xFFFFFF00;
	v45 =	vsel vm0, $0x1, v12;
	vm0 =	vlt.s32 v62, v7;
	v7 =	vadd.s32 v63, v48  }
0xfc: {  	_ =	swait.ge [sflag:s24], $0x700;
	v55 =	vbroadcast v3, $0x2;
	v52 =	vsel vm0, $0x1, v12;
	v7 =	vadd.s32 v45, v7  }
0xfd: {  	v58 =	vbroadcast v3, $0x4;
	v62 =	vbroadcast v3, $0x7;
	[sflag:s24] =	ssyncset.done $0x0;
	v7 =	vadd.s32 v52, v7  }
0xfe: {  	vm0 =	vlt.s32 v43, v34;
	[sflag:s24] =	ssyncadd.s32 $0xFFFFF900;
	v41 =	vadd.s32 v41, v7;
	v7 =	vbroadcast v3, $0x0  }
0xff: {  	s25 =	sand.u32 $0xF0, s9;
	v60 =	vadd.s32 v23, v3;
	v34 =	vsel vm0, $0x1, v1;
	v56 =	vadd.s32 v18, v3;
	v45 =	vld [tilespmem:s9+$0x600]  }
0x100: {  	vm1 =	vlt.s32 v55, v56;
	v47 =	vld [tilespmem:s25+$0xA80];
	vm0 =	vlt.s32 v7, v53;
	v7 =	vadd.s32 v17, v3  }
0x101: {  	v42 =	vld [tilespmem:s9+$0x840];
	v46 =	vsel vm0, $0x1, v12;
	vm0 =	vlt.s32 v54, v7;
	v7 =	vbroadcast v3, $0x3  }
0x102: {  	v44 =	vsel vm1, $0x1, v12;
	vm1 =	vlt.s32 v59, v60;
	v60 =	vbroadcast v3, $0x8  }
0x103: {  	v43 =	vsel vm0, $0x1, v12;
	vm0 =	vlt.s32 v7, v57;
	v7 =	vadd.s32 v20, v3  }
0x104: {  	v53 =	vsel vm0, $0x1, v12;
	vm0 =	vlt.s32 v58, v7;
	v7 =	vbroadcast v3, $0x6  }
0x105: {  	v59 =	vadd.s32 v25, v3;
	v50 =	vsel vm1, $0x1, v12;
	v56 =	vadd.s32 $0xFFFFFFFF, v41  }
0x106: {  	s13 =	simm.s32 $0x500;
	v48 =	vsel vm0, $0x1, v12;
	vm0 =	vgt.s32 v42, $0x0;
	vm1 =	vlt.s32 v7, v61  }
0x107: {  	v45 =	vld.idx.msk [tilespmem:v45+s13+$0x0], $0xffff;
	v7 =	vadd.s32 v26, v3;
	v63 =	vnsel vm0, $0x0, v42;
	v55 =	vsel vm1, $0x1, v12  }
0x108: {  	v47 =	vld.idx.msk [tilespmem:v47+s13+$0x0], $0xffff;
	vm0 =	vlt.s32 v62, v7;
	vm1 =	vgt.s32 v41, $0x0;
	v7 =	vor.u32 $0x240, v49  }
0x109: {  	v57 =	vbroadcast v3, $0x9;
	v61 =	vadd.s32 v24, v3;
	v56 =	vsel vm1, v56, v7  }
0x10a: {  	v62 =	vadd.s32 v30, v3;
	v49 =	vbroadcast v3, $0xA;
	v58 =	vsel vm0, $0x1, v12  }
0x10b: {  	vm0 =	vlt.s32 v60, v61;
	v60 =	vbroadcast v3, $0xB;
	v61 =	vbroadcast v3, $0xD  }
0x10c: {  	v54 =	vsel vm0, $0x1, v12;
	vm0 =	vlt.s32 v57, v62;
	vm1 =	vlt.s32 v49, v59;
	v52 =	vld.idx.msk [tilespmem:v63+s13+$0x0], $0xffff;
	[tilespmem:$0xD00] =	vst v45  }
0x10d: {  	s26 =	simm.s32 $0xD00;
	v57 =	vsel vm0, $0x1, v12;
	vm0 =	vmmov $0xffff;
	v63 =	vadd.s32 v31, v3;
	[tilespmem:$0xD80] =	vst v47  }
0x10e: {  	v49 =	vbroadcast v3, $0xC;
	v59 =	vsel vm1, $0x1, v12;
	vm1 =	vlt.s32 v60, v63;
	[spmem:s4] =	stream.indirect_vreg.scatter [tilespmem:s26], [sflag:$0x4], $0x1, v56, vm0, $0xb8;
	[tilespmem:$0x1760] =	vst v63  }
0x10f: {  	s28 =	simm.s32 $0xD80;
	v60 =	vadd.s32 v28, v3;
	v63 =	vbroadcast v3, $0xF;
	v56 =	vsel vm1, $0x1, v12  }
0x110: {  	vm1 =	vlt.s32 v49, v60;
	v49 =	vadd.s32 v29, v3;
	v60 =	vbroadcast v3, $0xE;
	[spmem:s3] =	stream.indirect_vreg.scatter [tilespmem:s28], [sflag:$0x4], $0x1, v41, vm0, $0xb8;
	[tilespmem:$0x1760] =	vst v63  }
0x111: {  	vm2 =	vlt.s32 v61, v49;
	v41 =	vadd.s32 v33, v3;
	v49 =	vsub.f32 v47, v52;
	v61 =	vld [tilespmem:s12+$0x840]  }
0x112: {  	v62 =	vsel vm1, $0x1, v12;
	vm1 =	vlt.s32 v60, v41;
	v41 =	vsel vm2, $0x1, v12  }
0x113: {  	vm2 =	vgt.s32 v42, $0xFFFFFFFF;
	v60 =	vsel vm1, $0x1, v12;
	v42 =	vsub.f32 $0.0e+00, v49  }
0x114: {  	vm1 =	vlt.s32 v51, v9;
	v51 =	vadd.s32 v46, v43;
	v43 =	vsel vm2, v52, v47  }
0x115: {  	s29 =	sand.u32 $0x1F0, s12;
	v49 =	vmax.f32 v49, $0.0e+00;
	v9 =	vadd.s32 v44, v51;
	v42 =	vmax.f32 v42, $0.0e+00  }
0x116: {  	v51 =	vld [tilespmem:s29+$0xA80];
	v47 =	vnsel vm2, $0x0, v49;
	v42 =	vnsel vm2, $0x0, v42;
	vm2 =	vgt.s32 v61, $0x0  }
0x117: {  	v8 =	vld [tilespmem:s12+$0x600];
	v52 =	vnsel vm2, $0x0, v61;
	vm2 =	vlt.s32 v63, v3;
	v3 =	vadd.s32 v53, v9  }
0x118: {  	v2 =	vadd.s32 v10, v2;
	v53 =	vsub.s32 v37, v4;
	v3 =	vadd.s32 v48, v3  }
0x119: {  	v4 =	vsub.s32 v39, v4;
	v9 =	vadd.s32 v21, v53;
	v3 =	vadd.s32 v50, v3  }
0x11a: {  	p2 =	seq.s32 s10, s16;
	p5 =	seq.s32 s8, s16;
	v4 =	vadd.s32 v27, v4;
	v21 =	vsub.f32 v43, v45;
	v3 =	vadd.s32 v55, v3  }
0x11b: {  	v4 =	vpsel p2, $0x0, v4;
	v9 =	vpsel p5, $0x0, v9;
	v3 =	vadd.s32 v58, v3  }
0x11c: {  	v55 =	vsub.s32 v38, v5;
	v27 =	vsub.f32 $0.0e+00, v21;
	v3 =	vadd.s32 v54, v3  }
0x11d: {  	v2 =	vadd.s32 v2, v4;
	v21 =	vmax.f32 v21, $0.0e+00;
	v58 =	vld.idx.msk [tilespmem:v52+s13+$0x0], $0xffff;
	v3 =	vadd.s32 v57, v3  }
0x11e: {  	p3 =	seq.s32 s10, s14;
	v4 =	vadd.s32 v32, v55;
	v27 =	vmax.f32 v27, $0.0e+00;
	v3 =	vadd.s32 v59, v3;
	v59 =	vld.idx.msk [tilespmem:v51+s13+$0x0], $0xffff  }
0x11f: {  	v8 =	vld.idx.msk [tilespmem:v8+s13+$0x0], $0xffff;
	v21 =	vadd.f32 $0.0e+00, v21;
	v4 =	vpsel p3, $0x0, v4;
	v27 =	vmul.f32 v27, v27  }
0x120: {  	v2 =	vadd.s32 v2, v4;
	v4 =	vsub.s32 v34, v11;
	v3 =	vadd.s32 v56, v3  }
0x121: {  	v4 =	vadd.s32 v36, v4;
	v21 =	vadd.f32 v27, v21;
	v3 =	vadd.s32 v62, v3  }
0x122: {  	p4 =	seq.s32 s10, s15;
	v27 =	vsel vm2, $0x1, v12;
	vm2 =	vgt.s32 v61, $0xFFFFFFFF;
	v3 =	vadd.s32 v41, v3  }
0x123: {  	v4 =	vpsel p4, $0x0, v4;
	v3 =	vadd.s32 v60, v3;
	v60 =	vsel vm2, v58, v59  }
0x124: {  	v61 =	vmul.f32 v42, v42;
	v21 =	vadd.f32 v21, v47;
	v34 =	vsub.f32 v60, v8  }
0x125: {  	v2 =	vadd.s32 v2, v4;
	v3 =	vadd.s32 v27, v3;
	v10 =	vsub.f32 v59, v58  }
0x126: {  	v2 =	vadd.s32 v2, v3;
	v3 =	vadd.f32 v21, v61;
	v21 =	vsub.f32 $0.0e+00, v34  }
0x127: {  	v4 =	vsel vm1, $0x1, v1;
	vm1 =	vgt.s32 v2, $0x0;
	v27 =	vadd.s32 $0xFFFFFFFF, v2  }
0x128: {  	v62 =	vsub.f32 $0.0e+00, v10;
	v34 =	vmax.f32 v34, $0.0e+00;
	v21 =	vmax.f32 v21, $0.0e+00  }
0x129: {  	v27 =	vsel vm1, v27, v7;
	v3 =	vadd.f32 v34, v3;
	v21 =	vmul.f32 v21, v21  }
0x12a: {  	v6 =	vadd.s32 v6, v9;
	v4 =	vsub.s32 v4, v5  }
0x12b: {  	v5 =	vmax.f32 v10, $0.0e+00;
	v63 =	vmax.f32 v62, $0.0e+00;
	v3 =	vadd.f32 v21, v3  }
0x12c: {  	p0 =	sne.s32 s7, $0x4;
	[tilespmem:$0xE00] =	vst v8;
	vm1 =	vlt.s32 v40, v14;
	v5 =	vnsel vm2, $0x0, v5;
	v8 =	vnsel vm2, $0x0, v63  }
.Ltmp2:
0x12d: {  	s30 =	simm.s32 $0xE00;
	p6 =	seq.s32 s8, s14;
	[tilespmem:$0xE80] =	vst v59;
	v1 =	vsel vm1, $0x1, v1;
	v3 =	vadd.f32 v3, v5;
	v5 =	vmul.f32 v8, v8;
	(pc) =	sbr.rel @p0 .LBB2_6-.Ltmp2, $4  }
0x12e: {  	v4 =	vadd.s32 v15, v4;
	v1 =	vsub.s32 v1, v11;
	[spmem:s4] =	stream.indirect_vreg.scatter [tilespmem:s30], [sflag:$0x4], $0x1, v27, vm0, $0xb8;
	[tilespmem:$0x1760] =	vst v63  }
0x12f: {  	s31 =	simm.s32 $0xE80;
	p1 =	seq.s32 s8, s15;
	v4 =	vpsel p6, $0x0, v4;
	v8 =	vadd.s32 v13, v1;
	v1 =	vadd.f32 v3, v5  }
0x130: {  	[spmem:s3] =	stream.indirect_vreg.scatter [tilespmem:s31], [sflag:$0x4], $0x1, v2, vm0, $0xb8;
	v2 =	vadd.s32 v6, v4;
	v3 =	vpsel p1, $0x0, v8;
	[tilespmem:$0x1760] =	vst v63  }
0x131: {  	s7 =	sadd.s32 s9, s2;
	v2 =	vadd.s32 v2, v3;
	[tilespmem:$0x1000] =	vst v1  }
0x132: {  	v3 =	vbroadcast v0, $0x0;
	v4 =	vbroadcast v0, $0x1  }
0x133: {  	v5 =	vadd.s32 v16, v0;
	v6 =	vadd.s32 v17, v0;
	v8 =	vbroadcast v0, $0x2  }
0x134: {  	v51 =	vadd.s32 v18, v0;
	v53 =	vbroadcast v0, $0x3;
	v55 =	vadd.s32 v19, v0  }
0x135: {  	v56 =	vbroadcast v0, $0x4;
	v57 =	vadd.s32 v20, v0;
	v58 =	vbroadcast v0, $0x5  }
0x136: {  	v59 =	vadd.s32 v23, v0;
	v61 =	vbroadcast v0, $0x6;
	v10 =	vadd.s32 v22, v0  }
0x137: {  	v11 =	vbroadcast v0, $0x7;
	v20 =	vadd.s32 v26, v0;
	v21 =	vbroadcast v0, $0x8  }
0x138: {  	v22 =	vbroadcast v0, $0x9;
	v14 =	vadd.s32 v24, v0;
	v15 =	vadd.s32 v30, v0  }
0x139: {  	v30 =	vbroadcast v0, $0xA;
	v32 =	vbroadcast v0, $0xB;
	v34 =	vadd.s32 v25, v0  }
0x13a: {  	v35 =	vadd.s32 v31, v0;
	v39 =	vbroadcast v0, $0xC;
	v41 =	vadd.s32 v28, v0  }
0x13b: {  	v43 =	vbroadcast v0, $0xD;
	v45 =	vadd.s32 v29, v0;
	v46 =	vbroadcast v0, $0xE  }
0x13c: {  	v47 =	vadd.s32 v33, v0;
	v48 =	vbroadcast v0, $0xF;
	vm1 =	vlt.s32 v3, v5  }
0x13d: {  	vm2 =	vlt.s32 v4, v6;
	vm11 =	vlt.s32 v8, v51;
	vm12 =	vlt.s32 v53, v55  }
0x13e: {  	vm13 =	vlt.s32 v56, v57;
	v52 =	vsel vm1, $0x1, v12;
	v54 =	vsel vm2, $0x1, v12  }
0x13f: {  	v27 =	vld [tilespmem:s6+$0x840];
	vm14 =	vlt.s32 v58, v59;
	v9 =	vsel vm11, $0x1, v12;
	v4 =	vadd.s32 v52, v54  }
0x140: {  	vm15 =	vlt.s32 v61, v10;
	v60 =	vsel vm12, $0x1, v12;
	v4 =	vadd.s32 v9, v4  }
0x141: {  	v38 =	vld [tilespmem:s6+$0xA80];
	vm4 =	vlt.s32 v11, v20;
	v62 =	vsel vm13, $0x1, v12;
	v4 =	vadd.s32 v60, v4  }
0x142: {  	vm5 =	vlt.s32 v21, v14;
	v63 =	vsel vm14, $0x1, v12;
	v4 =	vadd.s32 v62, v4  }
0x143: {  	v40 =	vld [tilespmem:s6+$0x600];
	vm6 =	vlt.s32 v22, v15;
	v13 =	vsel vm15, $0x1, v12;
	v3 =	vadd.s32 v63, v4  }
0x144: {  	v23 =	vsel vm4, $0x1, v12;
	vm9 =	vgt.s32 v27, $0x0;
	v3 =	vadd.s32 v13, v3  }
0x145: {  	v24 =	vsel vm5, $0x1, v12;
	v42 =	vnsel vm9, $0x0, v27;
	v3 =	vadd.s32 v23, v3  }
0x146: {  	vm7 =	vlt.s32 v30, v34;
	v26 =	vsel vm6, $0x1, v12;
	v3 =	vadd.s32 v24, v3  }
0x147: {  	vm8 =	vlt.s32 v32, v35;
	v36 =	vsel vm7, $0x1, v12;
	v3 =	vadd.s32 v26, v3  }
0x148: {  	vm10 =	vlt.s32 v39, v41;
	v37 =	vsel vm8, $0x1, v12;
	v3 =	vadd.s32 v36, v3  }
0x149: {  	v44 =	vsel vm10, $0x1, v12;
	vm11 =	vlt.s32 v43, v45;
	v52 =	vld.idx.msk [tilespmem:v38+s13+$0x0], $0xffff;
	v3 =	vadd.s32 v37, v3  }
0x14a: {  	vm12 =	vlt.s32 v46, v47;
	v49 =	vsel vm11, $0x1, v12;
	v50 =	vld.idx.msk [tilespmem:v42+s13+$0x0], $0xffff;
	v3 =	vadd.s32 v44, v3  }
0x14b: {  	vm13 =	vlt.s32 v48, v0;
	v9 =	vsel vm12, $0x1, v12;
	v54 =	vld.idx.msk [tilespmem:v40+s13+$0x0], $0xffff;
	v51 =	vadd.s32 v49, v3  }
0x14c: {  	v53 =	vsel vm13, $0x1, v12;
	v0 =	vadd.s32 v9, v51  }
0x14d: {  	v0 =	vadd.s32 v53, v0  }
0x14e: {  	vm14 =	vgt.s32 v27, $0xFFFFFFFF;
	v0 =	vadd.s32 v2, v0  }
0x14f: {  	v55 =	vsel vm14, v50, v52;
	vm15 =	vgt.s32 v0, $0x0;
	v2 =	vadd.s32 $0xFFFFFFFF, v0  }
0x150: {  	v4 =	vsub.f32 v55, v54;
	v2 =	vsel vm15, v2, v7;
	_ =	sdelay $0x1  }
0x151: {  	v56 =	vsub.f32 $0.0e+00, v4  }
0x152: {  	[tilespmem:$0xF00] =	vst v54;
	v6 =	vsub.f32 v52, v50  }
0x153: {  	s30 =	simm.s32 $0xF00;
	s31 =	simm.s32 $0x8;
	[tilespmem:$0xF80] =	vst v52;
	v57 =	vmax.f32 v4, $0.0e+00;
	v58 =	vmax.f32 v56, $0.0e+00  }
0x154: {  	v59 =	vsub.f32 $0.0e+00, v6;
	v1 =	vadd.f32 v57, v1;
	v60 =	vmul.f32 v58, v58;
	[spmem:s4] =	stream.indirect_vreg.scatter [tilespmem:s30], [sflag:$0x8], $0x1, v2, vm0, $0xb8;
	[tilespmem:$0x1760] =	vst v63  }
0x155: {  	_ =	swait.ge [sflag:s31], $0x10  }
0x156: {  	v61 =	vmax.f32 v6, $0.0e+00;
	v1 =	vadd.f32 v60, v1;
	v2 =	vmax.f32 v59, $0.0e+00;
	[sflag:s31] =	ssyncset.done $0x0  }
0x157: {  	s8 =	simm.s32 $0xF80;
	v62 =	vnsel vm14, $0x0, v61;
	v2 =	vnsel vm14, $0x0, v2;
	[sflag:s31] =	ssyncadd.s32 $0xFFFFFFF0  }
0x158: {  	v1 =	vadd.f32 v1, v62;
	v2 =	vmul.f32 v2, v2;
	[spmem:s3] =	stream.indirect_vreg.scatter [tilespmem:s8], [sflag:$0x8], $0x1, v0, vm0, $0xb8;
	[tilespmem:$0x1760] =	vst v63  }
0x159: {  	_ =	swait.ge [sflag:s31], $0x10  }
0x15a: {  	v63 =	vadd.f32 v1, v2;
	[sflag:s31] =	ssyncset.done $0x0  }
0x15b: {  	[sflag:s31] =	ssyncadd.s32 $0xFFFFFFF0  }
0x15c: {  	[tilespmem:$0x1000] =	vst v63  }
.LBB2_6:
0x15d: {  	s6 =	simm.s32 $0x1000;
	s30 =	simm.s32 $0x8  }
0x15e: {  	[spmem:s7] =	stream.linear.scatter [tilespmem:s6], [sflag:$0x8], $0x10, $0x38;
	[tilespmem:$0x1760] =	vst v63  }
0x15f: {  	_ =	swait.ge [sflag:s30], $0x10  }
0x160: {  	[sflag:s30] =	ssyncset.done $0x0  }
0x161: {  	s31 =	simm.s32 $0x4;
	[sflag:s30] =	ssyncadd.s32 $0xFFFFFFF0  }
0x162: {  	_ =	swait.ge [sflag:s31], $0x10  }
0x163: {  	[sflag:s31] =	ssyncset.done $0x0  }
0x164: {  	[sflag:s31] =	ssyncadd.s32 $0xFFFFFFF0  }
0x165: {  	_ =	swait.ge [sflag:s31], $0x10  }
0x166: {  	[sflag:s31] =	ssyncset.done $0x0  }
0x167: {  	[sflag:s31] =	ssyncadd.s32 $0xFFFFFFF0  }
0x168: {  	_ =	swait.ge [sflag:s31], $0x10  }
0x169: {  	[sflag:s31] =	ssyncset.done $0x0  }
0x16a: {  	[sflag:s31] =	ssyncadd.s32 $0xFFFFFFF0  }
0x16b: {  	_ =	swait.ge [sflag:s31], $0x10  }
0x16c: {  	[sflag:s31] =	ssyncset.done $0x0  }
0x16d: {  	[sflag:s31] =	ssyncadd.s32 $0xFFFFFFF0  }
0x16e: {  	p0 =	sne.s32 s5, $0x0;
	[bflag:$0x0] =	sbarrier.arrive $0xFFFF  }
0x16f: {  	_ =	sfence.sel @p0 $0x180000  }
0x170: {  	[bflag:$0x0] =	sbarrier.arrive @p0 $0xFFFF  }
0x171: {  	_ =	strace @p0 $0x90000047  }
0x172: {  	[bflag:$0x2] =	sbarrier.arrive @p0 $0xFFFF  }
0x173: {  	_ =	shalt @p0  }
.LBB2_7:
0x174: {  	s5 =	simm.s32 $0x1080  }
0x175: {  	[tilespmem:s5], [sflag:$0x5] =	stream.linear.gather [spmem:s4], $0x280, $0x38;
	[tilespmem:$0x1760] =	vst v63  }
0x176: {  	s20 =	simm.s32 $0x1300  }
0x177: {  	[tilespmem:s20], [sflag:$0x6] =	stream.linear.gather [spmem:s3], $0x280, $0x38;
	[tilespmem:$0x1760] =	vst v63  }
0x178: {  	s21 =	simm.s32 $0x1580;
	s22 =	simm.s32 $0x5  }
0x179: {  	[tilespmem:s21], [sflag:$0x7] =	stream.linear.gather [spmem:s2], $0x100, $0x38;
	[tilespmem:$0x1760] =	vst v63  }
0x17a: {  	_ =	swait.ge [sflag:s22], $0x280  }
0x17b: {  	[sflag:s22] =	ssyncset.done $0x0  }
0x17c: {  	s23 =	simm.s32 $0x6;
	[sflag:s22] =	ssyncadd.s32 $0xFFFFFD80  }
0x17d: {  	_ =	swait.ge [sflag:s23], $0x280  }
0x17e: {  	[sflag:s23] =	ssyncset.done $0x0  }
0x17f: {  	s24 =	simm.s32 $0x7;
	[sflag:s23] =	ssyncadd.s32 $0xFFFFFD80  }
0x180: {  	_ =	swait.ge [sflag:s24], $0x100  }
0x181: {  	[sflag:s24] =	ssyncset.done $0x0  }
0x182: {  	s25 =	simm.s32 $0x11A0;
	[sflag:s24] =	ssyncadd.s32 $0xFFFFFF00  }
0x183: {  	s26 =	simm.s32 $0x1420;
	v0 =	vld [tilespmem:s25+$0x0]  }
0x184: {  	v1 =	vld [tilespmem:s26+$0x0]  }
0x185: {  	v2 =	vld [tilespmem:s26+$0xFFFFFEE0]  }
0x186: {  	s29 =	simm.s32 $0x1430;
	v3 =	vld [tilespmem:s25+$0xFFFFFEE0]  }
0x187: {  	s28 =	simm.s32 $0x11B0;
	v9 =	vld [tilespmem:s29+$0xFFFFFEE0]  }
0x188: {  	v10 =	vld [tilespmem:s28+$0xFFFFFEE0]  }
0x189: {  	v6 =	vld [tilespmem:s28+$0x0];
	v5 =	vsub.f32 v0, v1  }
0x18a: {  	v7 =	vld [tilespmem:s29+$0x0]  }
0x18b: {  	v2 =	vsub.f32 v3, v2;
	v3 =	vsub.f32 $0.0e+00, v5  }
0x18c: {  	v0 =	vlaneseq.u32;
	v1 =	vimm.f32 $0.0e+00  }
0x18d: {  	v9 =	vsub.f32 v10, v9;
	v0 =	vmul.u32 $0xFFFFFFFF, v0;
	v3 =	vmax.f32 v3, $0.0e+00  }
0x18e: {  	s30 =	simm.s32 $0x120;
	v8 =	vsub.f32 $0.0e+00, v2;
	v4 =	vmax.f32 v2, $0.0e+00;
	v3 =	vmul.f32 v3, v3  }
0x18f: {  	v5 =	vmax.f32 v5, $0.0e+00;
	v2 =	vsub.f32 v6, v7;
	v6 =	vmov s30  }
0x190: {  	s5 =	simm.s32 $0x1440;
	v0 =	vadd.s32 $0x23F, v0;
	v8 =	vmax.f32 v8, $0.0e+00;
	v5 =	vadd.f32 v3, v5  }
0x191: {  	s31 =	simm.s32 $0x0;
	s4 =	simm.s32 $0x11C0;
	vm0 =	vlt.u32 v6, v0;
	v6 =	vld [tilespmem:s5+$0x0];
	v10 =	vsub.f32 $0.0e+00, v2;
	v7 =	vmul.f32 v8, v8  }
0x192: {  	s6 =	simm.s32 $0x30;
	s3 =	simm.s32 $0x10;
	s2 =	simm.s32 $0x20;
	v8 =	vmov s31;
	v3 =	vld [tilespmem:s4+$0x0];
	v11 =	vnsel vm0, $0x0, v5;
	v5 =	vimm.f32 $0.0e+00  }
.LBB2_8:
0x193: {  	p0 =	sne.s32 s6, $0x110;
	v12 =	vld [tilespmem:s5+$0xFFFFFEE0];
	v7 =	vadd.f32 v7, v4;
	vm0 =	vlt.u32 v8, v0;
	v1 =	vadd.f32 v11, v1  }
0x194: {  	v11 =	vld [tilespmem:s4+$0xFFFFFEE0];
	v4 =	vmax.f32 v9, $0.0e+00;
	v8 =	vsub.f32 $0.0e+00, v9;
	v9 =	vmax.f32 v10, $0.0e+00  }
.Ltmp3:
0x195: {  	v9 =	vmul.f32 v9, v9;
	v7 =	vnsel vm0, $0x0, v7;
	(pc) =	sbr.rel @p0 .LBB2_8-.Ltmp3, $4  }
0x196: {  	s7 =	sadd.s32 $0x120, s3;
	v10 =	vmax.f32 v2, $0.0e+00;
	v8 =	vmax.f32 v8, $0.0e+00;
	v5 =	vadd.f32 v7, v5  }
0x197: {  	s4 =	sadd.s32 $0x10, s4;
	v2 =	vsub.f32 v3, v6;
	v13 =	vadd.f32 v9, v10;
	v6 =	vmov s7  }
0x198: {  	s5 =	sadd.s32 $0x10, s5;
	v7 =	vmul.f32 v8, v8;
	v8 =	vmov s3;
	s3 =	smov.u32 s2;
	s2 =	smov.u32 s6;
	v3 =	vld [tilespmem:s4+$0x0];
	vm0 =	vlt.u32 v6, v0  }
0x199: {  	s6 =	sadd.s32 $0x10, s6;
	v6 =	vld [tilespmem:s5+$0x0];
	v9 =	vsub.f32 v11, v12;
	v10 =	vsub.f32 $0.0e+00, v2;
	v11 =	vnsel vm0, $0x0, v13  }
0x19a: {  	v12 =	vld [tilespmem:s5+$0xFFFFFEE0]  }
0x19b: {  	v13 =	vld [tilespmem:s4+$0xFFFFFEE0]  }
0x19c: {  	v14 =	vld [tilespmem:$0x1580]  }
0x19d: {  	v4 =	vadd.f32 v7, v4;
	vm0 =	vlt.u32 v8, v0;
	v34 =	vld [tilespmem:$0x1600];
	v1 =	vadd.f32 v11, v1  }
0x19e: {  	v36 =	vld [tilespmem:$0x1590];
	v2 =	vmax.f32 v2, $0.0e+00;
	v33 =	vsub.f32 $0.0e+00, v9;
	v10 =	vmax.f32 v10, $0.0e+00  }
0x19f: {  	v15 =	vld [tilespmem:$0x1610];
	v43 =	vmov s3;
	v10 =	vmul.f32 v10, v10;
	v4 =	vnsel vm0, $0x0, v4  }
0x1a0: {  	v37 =	vld [tilespmem:$0x15A0];
	v58 =	vmov s2;
	v7 =	vmax.f32 v33, $0.0e+00;
	v4 =	vadd.f32 v4, v5  }
0x1a1: {  	v40 =	vld [tilespmem:$0x1620];
	v3 =	vsub.f32 v3, v6;
	v2 =	vadd.f32 v10, v2;
	v38 =	vmul.f32 v7, v7  }
0x1a2: {  	s26 =	sadd.s32 $0x120, s3;
	v42 =	vld [tilespmem:$0x15B0];
	v35 =	vmax.f32 v9, $0.0e+00;
	v39 =	vadd.f32 $0.0e+00, v14;
	v8 =	vadd.f32 $0.0e+00, v34  }
0x1a3: {  	v44 =	vld [tilespmem:$0x1630];
	v41 =	vmov s26;
	v12 =	vsub.f32 v13, v12;
	v6 =	vadd.f32 v38, v35  }
0x1a4: {  	v46 =	vld [tilespmem:$0x15C0];
	s28 =	sadd.s32 $0x120, s2;
	vm11 =	vlt.u32 v43, v0;
	v7 =	vadd.f32 v36, v39;
	v8 =	vadd.f32 v15, v8  }
0x1a5: {  	v47 =	vld [tilespmem:$0x1640];
	v55 =	vmov s28;
	v45 =	vsub.f32 $0.0e+00, v3;
	v48 =	vsub.f32 $0.0e+00, v12  }
0x1a6: {  	v49 =	vld [tilespmem:$0x15D0];
	vm10 =	vlt.u32 v41, v0;
	v5 =	vadd.f32 v37, v7;
	v8 =	vadd.f32 v40, v8  }
0x1a7: {  	v51 =	vld [tilespmem:$0x1650];
	v2 =	vnsel vm10, $0x0, v2;
	v3 =	vmax.f32 v3, $0.0e+00;
	v14 =	vmax.f32 v45, $0.0e+00  }
0x1a8: {  	v52 =	vld [tilespmem:$0x15E0];
	v9 =	vmax.f32 v48, $0.0e+00;
	v5 =	vadd.f32 v42, v5;
	v8 =	vadd.f32 v44, v8  }
0x1a9: {  	v54 =	vld [tilespmem:$0x1660];
	v1 =	vadd.f32 v2, v1;
	v50 =	vmul.f32 v14, v14;
	v53 =	vmul.f32 v9, v9  }
0x1aa: {  	v56 =	vld [tilespmem:$0x15F0];
	v12 =	vmax.f32 v12, $0.0e+00;
	v5 =	vadd.f32 v46, v5;
	v7 =	vadd.f32 v47, v8  }
0x1ab: {  	v57 =	vld [tilespmem:$0x1670];
	vm12 =	vlt.u32 v55, v0;
	v2 =	vadd.f32 v50, v3;
	v3 =	vadd.f32 v53, v12  }
0x1ac: {  	v6 =	vnsel vm11, $0x0, v6;
	v5 =	vadd.f32 v49, v5;
	v7 =	vadd.f32 v51, v7  }
0x1ad: {  	vm13 =	vlt.u32 v58, v0;
	v4 =	vadd.f32 v6, v4;
	v2 =	vnsel vm12, $0x0, v2  }
0x1ae: {  	v0 =	vnsel vm13, $0x0, v3;
	v59 =	vadd.f32 v52, v5;
	v60 =	vadd.f32 v54, v7  }
0x1af: {  	v1 =	vadd.f32 v2, v1;
	v0 =	vadd.f32 v0, v4  }
0x1b0: {  	v61 =	vadd.f32 v56, v59;
	v62 =	vadd.f32 v57, v60  }
0x1b1: {  	v0 =	vadd.f32 v1, v0  }
0x1b2: {  	v63 =	vadd.f32 v62, v61  }
0x1b3: {  	(xrf2) =	vadd.scan.msk.f32 $0xffff, v0  }
0x1b4: {  	(xrf2) =	vadd.scan.msk.f32 $0xffff, v63;
	_ =	sdelay $0x8  }
0x1b5: {  	v0, _, _ =	vpop (xrf2)  }
0x1b6: {  	v1, _, _ =	vpop (xrf2)  }
0x1b7: {  	v1 =	vbroadcast v1, $0xF  }
0x1b8: {  	vm14 =	vcmask $0x704;
	v0 =	vbroadcast v0, $0xF  }
0x1b9: {  	vm15 =	vcmask $0x3F04;
	v1 =	vnsel vm14, $0x0, v1  }
0x1ba: {  	v0 =	vsel vm15, v1, v0  }
0x1bb: {  	s29 =	simm.s32 $0x0;
	s30 =	simm.s32 $0x1680;
	s31 =	simm.s32 $0x8;
	[tilespmem:$0x1680] =	vst v0  }
0x1bc: {  	[hbm4b:s1+s29] =	stream.linear.scatter [tilespmem:s30], [sflag:$0x8], $0x80, $0x38;
	[tilespmem:$0x1760] =	vst v63  }
0x1bd: {  	_ =	swait.ge [sflag:s31], $0x80  }
0x1be: {  	[sflag:s31] =	ssyncset.done $0x0  }
0x1bf: {  	[sflag:s31] =	ssyncadd.s32 $0xFFFFFF80  }
0x1c0: {  	_ =	sfence.sel $0x180000  }
0x1c1: {  	[bflag:$0x0] =	sbarrier.arrive $0xFFFF  }
0x1c2: {  	_ =	strace $0x90000047  }
0x1c3: {  	s0 =	sadd.s32 $0x100000, s0;
	[bflag:$0x2] =	sbarrier.arrive $0xFFFF  }
0x1c4: {  	[sflag:s0] =	ssyncadd.tile.s32 $0x1;
	_ =	shalt  }
.Lfunc_end2:
_tile_overlayer_lowered:
.L_overlay_start_2:
0x1c5: {  	(tag) =	ssettag $0x2  }
0x1c6: {  	s0 =	rddreg [dreg:$0x0];
	s2 =	stileid.u32  }
0x1c7: {  	s1 =	rddreg [dreg:$0x1];
	p0 =	sne.s32 s2, $0x0  }
0x1c8: {  	s3 =	rddreg [dreg:$0x2];
	[bflag:$0x3] =	sbarrier.arrive $0xFFFF;
	s2 =	simm.s32 @!p0 $0x1C08  }
0x1c9: {  	[timem:s3], [sflag:s2] =	dma.local @!p0 [hbm:s0], s1  }
0x1ca: {  	s0 =	simm.s32 @!p0 $0x8  }
0x1cb: {  	_ =	swait.ge @!p0 [sflag:s0], s1  }
0x1cc: {  	s1 =	ssub.s32 @!p0 $0x0, s1;
	[sflag:s0] =	ssyncset.done @!p0 $0x0  }
0x1cd: {  	[sflag:s0] =	ssyncadd.s32 @!p0 s1  }
0x1ce: {  	[bflag:$0x3] =	sbarrier.arrive $0xFFFF  }
0x1cf: {  	_ =	shalt  }

</sc_bundles>
